<compile_context>
chip_gen: v7x
topology: tpu7x:2x2x1
jax: 0.10.2.dev20260603
libtpu: 0.0.44.dev20260713+nightly
codegen_flags: <defaults>
</compile_context>

<pallas_src>
import dataclasses
import functools

import jax
import jax.numpy as jnp
from jax import lax
from jax.experimental import pallas as pl
from jax.experimental.pallas import tpu as pltpu
from jax.experimental.pallas import tpu_sc as plsc

N = 10000
E = 320000
D = 128
D2 = D // 2
ALPHA = 0.1

NC = 2
NS = 16
NW = NC * NS

EPW = E // NW
DCH = 64
DNCH = 160
EPWP = DNCH * DCH

EPT = E // NS
CH = 64
NCHT = 320
EPTP = NCHT * CH
WCH = 32
NWIN = NCHT // WCH

N2 = 10240
NA = 10240
RPT = NA // NS
BLK = 1024
NG = 10

_mesh = plsc.VectorSubcoreMesh(core_axis_name="c", subcore_axis_name="s")

_sc_params = pltpu.CompilerParams()
if "needs_layout_passes" in pltpu.CompilerParams.__dataclass_fields__:
    _sc_params = dataclasses.replace(_sc_params, needs_layout_passes=False)
if "use_tc_tiling_on_sc" in pltpu.CompilerParams.__dataclass_fields__:
    _sc_params = dataclasses.replace(_sc_params, use_tc_tiling_on_sc=False)


@functools.partial(
    pl.kernel,
    out_type=jax.ShapeDtypeStruct((NW, N2), jnp.float32),
    mesh=_mesh,
    scratch_types=[
        pltpu.VMEM((N2,), jnp.float32),
        pltpu.VMEM((DNCH, DCH), jnp.int32),
    ],
    compiler_params=_sc_params,
)
def _sc_degree_kernel(dst_hbm, out_hbm, hist, idxs):
    c = lax.axis_index("c")
    s = lax.axis_index("s")
    wid = c * NS + s

    @pl.loop(0, N2, step=16)
    def _(i):
        hist[pl.ds(i, 16)] = jnp.zeros((16,), jnp.float32)

    pltpu.sync_copy(dst_hbm.at[wid], idxs)
    ones = jnp.ones((16,), jnp.float32)

    @pl.loop(0, DNCH)
    def _(j):
        @pl.loop(0, DCH, step=16)
        def _(k):
            plsc.addupdate_scatter(hist, [idxs[j, pl.ds(k, 16)]], ones)

    pltpu.sync_copy(hist, out_hbm.at[wid])


@functools.partial(
    pl.kernel,
    out_type=jax.ShapeDtypeStruct((NC, NA, D2), jnp.bfloat16),
    mesh=_mesh,
    scratch_types=[
        pltpu.VMEM((2, WCH, CH), jnp.int32),
        pltpu.VMEM((2, WCH, CH), jnp.int32),
        pltpu.VMEM((CH,), jnp.int32),
        pltpu.VMEM((CH,), jnp.int32),
        pltpu.VMEM((CH,), jnp.int32),
        pltpu.VMEM((CH,), jnp.int32),
        pltpu.VMEM((CH, D2), jnp.bfloat16),
        pltpu.VMEM((CH, D2), jnp.bfloat16),
        pltpu.VMEM_SHARED((NA, D2), jnp.bfloat16),
        pltpu.VMEM_SHARED((NA, D2), jnp.bfloat16),
        pltpu.SemaphoreType.DMA,
        pltpu.SemaphoreType.DMA,
        pltpu.SemaphoreType.DMA,
        pltpu.SemaphoreType.DMA,
        pltpu.SemaphoreType.DMA,
    ],
    compiler_params=_sc_params,
)
def _sc_agg_kernel(h2_hbm, src_hbm, dst_hbm, out_hbm, sidxw, didxw,
                   sg0, sg1, sd0, sd1, rows0, rows1, hsp, acc,
                   g0, g1, s0, s1, wsem):
    c = lax.axis_index("c")
    s = lax.axis_index("s")

    @pl.when(s < NS - 1)
    def _():
        pltpu.sync_copy(h2_hbm.at[c, pl.ds(s * RPT, RPT)],
                        hsp.at[pl.ds(s * RPT, RPT)])

    @pl.when(s == NS - 1)
    def _():
        pltpu.sync_copy(h2_hbm.at[c, pl.ds((NS - 1) * RPT, N - (NS - 1) * RPT)],
                        hsp.at[pl.ds((NS - 1) * RPT, N - (NS - 1) * RPT)])

    @pl.loop(0, CH)
    def _(i):
        @pl.loop(0, D2, step=32)
        def _(k):
            rows0[i, pl.ds(k, 32)] = jnp.zeros((32,), jnp.bfloat16)

    @pl.loop(0, RPT, step=CH)
    def _(r):
        pltpu.sync_copy(rows0, acc.at[pl.ds(s * RPT + r, CH)])

    pltpu.sync_copy(src_hbm.at[s, pl.ds(0, WCH)], sidxw.at[0])
    pltpu.sync_copy(dst_hbm.at[s, pl.ds(0, WCH)], didxw.at[0])
    plsc.subcore_barrier()

    def stage(dref, sref, p, k):
        @pl.loop(0, CH, step=16)
        def _(k2):
            dref[pl.ds(k2, 16)] = sref[p, k, pl.ds(k2, 16)]

    def gather(p, k, sg, buf, sem):
        stage(sg, sidxw, p, k)
        pltpu.async_copy(hsp.at[sg], buf, sem)

    def scat(p, k, sd, buf, sem):
        stage(sd, didxw, p, k)
        pltpu.async_copy(buf, acc.at[sd], sem, add=True)

    def gwait(buf, sem):
        pltpu.make_async_copy(hsp.at[pl.ds(0, CH)], buf, sem).wait()

    def swait(buf, sem):
        pltpu.make_async_copy(buf, acc.at[pl.ds(0, CH)], sem).wait()

    @pl.loop(0, NWIN)
    def _(w):
        p = w % 2

        @pl.when(w > 0)
        def _():
            pltpu.make_async_copy(
                src_hbm.at[s, pl.ds(0, WCH)], sidxw.at[0], wsem).wait()
            pltpu.make_async_copy(
                dst_hbm.at[s, pl.ds(0, WCH)], didxw.at[0], wsem).wait()

        gather(p, 0, sg0, rows0, g0)
        gather(p, 1, sg1, rows1, g1)

        @pl.when(w + 1 < NWIN)
        def _():
            pltpu.async_copy(
                src_hbm.at[s, pl.ds((w + 1) * WCH, WCH)],
                sidxw.at[1 - p], wsem)
            pltpu.async_copy(
                dst_hbm.at[s, pl.ds((w + 1) * WCH, WCH)],
                didxw.at[1 - p], wsem)

        @pl.loop(0, WCH - 2, step=2)
        def _(k):
            gwait(rows0, g0)
            scat(p, k, sd0, rows0, s0)
            gwait(rows1, g1)
            scat(p, k + 1, sd1, rows1, s1)
            swait(rows0, s0)
            gather(p, k + 2, sg0, rows0, g0)
            swait(rows1, s1)
            gather(p, k + 3, sg1, rows1, g1)

        kl = WCH - 2
        gwait(rows0, g0)
        scat(p, kl, sd0, rows0, s0)
        gwait(rows1, g1)
        scat(p, kl + 1, sd1, rows1, s1)
        swait(rows0, s0)
        swait(rows1, s1)

    plsc.subcore_barrier()

    @pl.loop(0, RPT, step=CH)
    def _(r):
        pltpu.sync_copy(
            acc.at[pl.ds(s * RPT + r, CH)],
            out_hbm.at[c, pl.ds(s * RPT + r, CH)],
        )


def _tc_prep_body(feat_ref, init_ref, wt_ref, hist_ref, h2_ref, base_ref):
    degs = jnp.maximum(jnp.sum(hist_ref[...], axis=0), 1.0)
    norm = lax.rsqrt(degs)[:, None]
    x = feat_ref[...]
    h = jnp.dot(x, wt_ref[...], preferred_element_type=jnp.float32,
                precision=lax.Precision.HIGHEST) * norm
    h2_ref[0] = h[:, :D2].astype(jnp.bfloat16)
    h2_ref[1] = h[:, D2:].astype(jnp.bfloat16)
    base_ref[...] = (1.0 - ALPHA) * x + (ALPHA / degs[:, None]) * init_ref[...]


def _tc_final_body(agg_ref, base_ref, hist_ref, out_ref):
    degs = jnp.maximum(jnp.sum(hist_ref[...], axis=0), 1.0)
    norm = lax.rsqrt(degs)[:, None]
    agg = jnp.concatenate([agg_ref[0], agg_ref[1]], axis=1).astype(jnp.float32)
    out_ref[...] = base_ref[...] + ALPHA * agg * norm


def kernel(features, initial_features, edge_index, W):
    src = edge_index[0]
    dst = edge_index[1]

    dst_deg = jnp.concatenate(
        [dst.reshape(NW, EPW),
         jnp.full((NW, EPWP - EPW), NA - 1, jnp.int32)], axis=1
    ).reshape(NW, DNCH, DCH)

    src_agg = jnp.concatenate(
        [src.reshape(NS, EPT), jnp.zeros((NS, EPTP - EPT), jnp.int32)], axis=1
    ).reshape(NS, NCHT, CH)
    dst_agg = jnp.concatenate(
        [dst.reshape(NS, EPT),
         jnp.full((NS, EPTP - EPT), NA - 1, jnp.int32)], axis=1
    ).reshape(NS, NCHT, CH)

    hists = _sc_degree_kernel(dst_deg)

    h2, base = pl.pallas_call(
        _tc_prep_body,
        grid=(NG,),
        in_specs=[
            pl.BlockSpec((BLK, D), lambda i: (i, 0)),
            pl.BlockSpec((BLK, D), lambda i: (i, 0)),
            pl.BlockSpec((D, D), lambda i: (0, 0)),
            pl.BlockSpec((NW, BLK), lambda i: (0, i)),
        ],
        out_specs=[
            pl.BlockSpec((2, BLK, D2), lambda i: (0, i, 0)),
            pl.BlockSpec((BLK, D), lambda i: (i, 0)),
        ],
        out_shape=[
            jax.ShapeDtypeStruct((2, N, D2), jnp.bfloat16),
            jax.ShapeDtypeStruct((N, D), jnp.float32),
        ],
    )(features, initial_features, W.T, hists)

    aggs = _sc_agg_kernel(h2, src_agg, dst_agg)

    out = pl.pallas_call(
        _tc_final_body,
        grid=(NG,),
        in_specs=[
            pl.BlockSpec((NC, BLK, D2), lambda i: (0, i, 0)),
            pl.BlockSpec((BLK, D), lambda i: (i, 0)),
            pl.BlockSpec((NW, BLK), lambda i: (0, i)),
        ],
        out_specs=pl.BlockSpec((BLK, D), lambda i: (i, 0)),
        out_shape=jax.ShapeDtypeStruct((N, D), jnp.float32),
    )(aggs, base, hists)
    return out

# --- scband reference (transcript-rebuilt; emitter-appended) ---
"""Pipeline reference for scband-vgcnlayer-32306744000543 (READ-ONLY COPY).

The authoritative reference and input builder live on the scoring server;
editing this copy changes nothing except your own understanding.
"""

import jax, jax.numpy as jnp
import numpy as np

N = 10000
E = 320000
D_IN = 128
D_OUT = 128
ALPHA = 0.1


def setup_inputs(seed: int = 0) -> dict:
    key = jax.random.key(seed)
    k1, k2, k3, k4 = jax.random.split(key, 4)
    features = jax.random.normal(k1, (N, D_IN), dtype=jnp.float32)
    initial_features = jax.random.normal(k2, (N, D_IN), dtype=jnp.float32)
    edge_index = jax.random.randint(k3, (2, E), 0, N, dtype=jnp.int32)
    # xavier_uniform init for linear weight [out_dim, in_dim], gain=1 (no activation)
    bound = float(np.sqrt(6.0 / (D_IN + D_OUT)))
    W = jax.random.uniform(k4, (D_OUT, D_IN), dtype=jnp.float32, minval=-bound, maxval=bound)
    return {"features": features, "initial_features": initial_features, "edge_index": edge_index, "W": W}


def reference(features, initial_features, edge_index, W):
    src = edge_index[0]
    dst = edge_index[1]
    # in-degrees (messages aggregate onto dst), clamp(min=1)
    degs = jnp.clip(jnp.bincount(dst, length=N).astype(jnp.float32), 1.0, None)
    norm = jnp.power(degs, -0.5)[:, None]
    norm_1 = jnp.power(degs, -1.0)[:, None]
    h_pre = features
    # dropout p=0 -> identity; linear (bias=False)
    h = features @ W.T
    ri = initial_features * norm_1
    h = h * norm
    # copy_u -> sum aggregation: scatter-add messages from src to dst
    m = jnp.take(h, src, axis=0)
    agg = jax.ops.segment_sum(m, dst, num_segments=N)
    h = agg * norm
    h = ALPHA * h + ALPHA * ri + (1.0 - ALPHA) * h_pre
    # activation=None, residual=False
    return h

if __name__ == "__main__":
    import jax
    _d = setup_inputs()
    print(jax.jit(kernel)(*tuple(_d.values())))

</pallas_src>

<mosaic_0001>
#map = affine_map<(d0, d1) -> (0, 0, 0)>
#map1 = affine_map<(d0, d1) -> (0, 0)>
module attributes {stable_mosaic.version = 14 : i64} {
  func.func @_sc_degree_kernel(%arg0: i32, %arg1: i32, %arg2: memref<32x160x64xi32, #tpu.memory_space<hbm>>, %arg3: memref<32x10240xf32, #tpu.memory_space<hbm>>, %arg4: memref<10240xf32, #tpu.memory_space<vmem>>, %arg5: memref<160x64xi32, #tpu.memory_space<vmem>>) attributes {dimension_semantics = [#tpu.dimension_semantics<core_parallel>, #tpu.dimension_semantics<subcore_parallel>], iteration_bounds = array<i64: 2, 16>, scalar_prefetch = 0 : i64, scratch_operands = 2 : i64, tpu.core_type = #tpu.core_type<sc_vector_subcore>, window_params = [{transform_indices = #map}, {transform_indices = #map1}]} {
    %mul3A = arith.constant 16 : i32
    %mul3A_0 = arith.muli %arg0, %mul3A : i32
    %add3A = arith.addi %mul3A_0, %arg1 : i32
    %scan3A = arith.constant 0 : i32
    %scan3A_1 = arith.constant 640 : i32
    %scan3A_2 = arith.addi %scan3A, %scan3A_1 : i32
    %scan3A_3 = arith.constant 1 : i32
    scf.for %scan3A_11 = %scan3A to %scan3A_2 step %scan3A_3  : i32 {
      %mul3A_12 = arith.constant 16 : i32
      %mul3A_13 = arith.muli %scan3A_11, %mul3A_12 : i32
      %add3A_14 = arith.constant 0 : i32
      %add3A_15 = arith.addi %add3A_14, %mul3A_13 : i32
      %broadcast_in_dim3A_16 = arith.constant 0.000000e+00 : f32
      %broadcast_in_dim3A_17 = vector.broadcast %broadcast_in_dim3A_16 : f32 to vector<16xf32>
      %swap3A = arith.index_cast %add3A_15 : i32 to index
      %swap3A_18 = tpu.vector_load %arg4[%swap3A] {strides = array<i32>} : memref<10240xf32, #tpu.memory_space<vmem>>, vector<16xf32>,
      tpu.vector_store %arg4[%swap3A], %broadcast_in_dim3A_17 {strides = array<i32>} : memref<10240xf32, #tpu.memory_space<vmem>>, vector<16xf32>,
    }
    %scan3A_4 = arith.constant 640 : i32
    "tpu.region"() ({
      %run_scoped3A = tpu.sem_alloc : memref<!tpu.dma_semaphore, #tpu.memory_space<semaphore_mem>>
      %dma_start3A = arith.constant 0 : i32
      %dma_start3A_11 = arith.constant 0 : i32
      %dma_start3A_12 = tpu.memref_slice %arg2[%add3A, %dma_start3A, %dma_start3A_11] : memref<32x160x64xi32, #tpu.memory_space<hbm>> -> memref<1x160x64xi32, #tpu.memory_space<hbm>>
      %dma_start3A_13 = tpu.memref_squeeze %dma_start3A_12 : memref<1x160x64xi32, #tpu.memory_space<hbm>> -> memref<160x64xi32, #tpu.memory_space<hbm>>
      %dma_start3A_14 = arith.constant 0 : i32
      %dma_start3A_15 = arith.constant 0 : i32
      %dma_start3A_16 = tpu.memref_slice %arg2[%add3A, %dma_start3A_14, %dma_start3A_15] : memref<32x160x64xi32, #tpu.memory_space<hbm>> -> memref<1x160x64xi32, #tpu.memory_space<hbm>>
      %dma_start3A_17 = tpu.memref_squeeze %dma_start3A_16 : memref<1x160x64xi32, #tpu.memory_space<hbm>> -> memref<160x64xi32, #tpu.memory_space<hbm>>
      tpu.enqueue_dma source(%dma_start3A_17 : memref<160x64xi32, #tpu.memory_space<hbm>>) target(%arg5 : memref<160x64xi32, #tpu.memory_space<vmem>>) target_semaphore(%run_scoped3A : memref<!tpu.dma_semaphore, #tpu.memory_space<semaphore_mem>>)
      %dma_wait3A = arith.constant 0 : i32
      %dma_wait3A_18 = arith.constant 0 : i32
      %dma_wait3A_19 = tpu.memref_slice %arg2[%add3A, %dma_wait3A, %dma_wait3A_18] : memref<32x160x64xi32, #tpu.memory_space<hbm>> -> memref<1x160x64xi32, #tpu.memory_space<hbm>>
      %dma_wait3A_20 = tpu.memref_squeeze %dma_wait3A_19 : memref<1x160x64xi32, #tpu.memory_space<hbm>> -> memref<160x64xi32, #tpu.memory_space<hbm>>
      %dma_wait3A_21 = arith.constant 0 : i32
      %dma_wait3A_22 = arith.constant 0 : i32
      %dma_wait3A_23 = tpu.memref_slice %arg2[%add3A, %dma_wait3A_21, %dma_wait3A_22] : memref<32x160x64xi32, #tpu.memory_space<hbm>> -> memref<1x160x64xi32, #tpu.memory_space<hbm>>
      %dma_wait3A_24 = tpu.memref_squeeze %dma_wait3A_23 : memref<1x160x64xi32, #tpu.memory_space<hbm>> -> memref<160x64xi32, #tpu.memory_space<hbm>>
      tpu.wait_dma2 semaphore(%run_scoped3A : memref<!tpu.dma_semaphore, #tpu.memory_space<semaphore_mem>>) src(%dma_wait3A_24 : memref<160x64xi32, #tpu.memory_space<hbm>>) dst(%arg5 : memref<160x64xi32, #tpu.memory_space<vmem>>)
      tpu.yield
    }) : () -> ()
    %broadcast_in_dim3A = arith.constant 1.000000e+00 : f32
    %broadcast_in_dim3A_5 = vector.broadcast %broadcast_in_dim3A : f32 to vector<16xf32>
    %scan3A_6 = arith.constant 0 : i32
    %scan3A_7 = arith.constant 160 : i32
    %scan3A_8 = arith.addi %scan3A_6, %scan3A_7 : i32
    %scan3A_9 = arith.constant 1 : i32
    scf.for %scan3A_11 = %scan3A_6 to %scan3A_8 step %scan3A_9  : i32 {
      %mul3A_12 = arith.constant 1 : i32
      %mul3A_13 = arith.muli %scan3A_11, %mul3A_12 : i32
      %add3A_14 = arith.constant 0 : i32
      %add3A_15 = arith.addi %add3A_14, %mul3A_13 : i32
      %scan3A_16 = arith.constant 0 : i32
      %scan3A_17 = arith.constant 4 : i32
      %scan3A_18 = arith.addi %scan3A_16, %scan3A_17 : i32
      %scan3A_19 = arith.constant 1 : i32
      scf.for %scan3A_21 = %scan3A_16 to %scan3A_18 step %scan3A_19  : i32 {
        %mul3A_22 = arith.constant 16 : i32
        %mul3A_23 = arith.muli %scan3A_21, %mul3A_22 : i32
        %add3A_24 = arith.constant 0 : i32
        %add3A_25 = arith.addi %add3A_24, %mul3A_23 : i32
        %get3A = arith.index_cast %add3A_15 : i32 to index
        %get3A_26 = arith.index_cast %add3A_25 : i32 to index
        %get3A_27 = tpu.vector_load %arg5[%get3A, %get3A_26] {strides = array<i32>} : memref<160x64xi32, #tpu.memory_space<vmem>>, vector<16xi32>,
        tpu.vector_store_idx %arg4[%get3A_27], %broadcast_in_dim3A_5 {add = true} : memref<10240xf32, #tpu.memory_space<vmem>>[vector<16xi32>], vector<16xf32>,
      }
      %scan3A_20 = arith.constant 4 : i32
    }
    %scan3A_10 = arith.constant 160 : i32
    "tpu.region"() ({
      %run_scoped3A = tpu.sem_alloc : memref<!tpu.dma_semaphore, #tpu.memory_space<semaphore_mem>>
      %dma_start3A = arith.constant 0 : i32
      %dma_start3A_11 = tpu.memref_slice %arg3[%add3A, %dma_start3A] : memref<32x10240xf32, #tpu.memory_space<hbm>> -> memref<1x10240xf32, #tpu.memory_space<hbm>>
      %dma_start3A_12 = tpu.memref_squeeze %dma_start3A_11 : memref<1x10240xf32, #tpu.memory_space<hbm>> -> memref<10240xf32, #tpu.memory_space<hbm>>
      %dma_start3A_13 = arith.constant 0 : i32
      %dma_start3A_14 = tpu.memref_slice %arg3[%add3A, %dma_start3A_13] : memref<32x10240xf32, #tpu.memory_space<hbm>> -> memref<1x10240xf32, #tpu.memory_space<hbm>>
      %dma_start3A_15 = tpu.memref_squeeze %dma_start3A_14 : memref<1x10240xf32, #tpu.memory_space<hbm>> -> memref<10240xf32, #tpu.memory_space<hbm>>
      tpu.enqueue_dma source(%arg4 : memref<10240xf32, #tpu.memory_space<vmem>>) target(%dma_start3A_15 : memref<10240xf32, #tpu.memory_space<hbm>>) target_semaphore(%run_scoped3A : memref<!tpu.dma_semaphore, #tpu.memory_space<semaphore_mem>>)
      %dma_wait3A = arith.constant 0 : i32
      %dma_wait3A_16 = tpu.memref_slice %arg3[%add3A, %dma_wait3A] : memref<32x10240xf32, #tpu.memory_space<hbm>> -> memref<1x10240xf32, #tpu.memory_space<hbm>>
      %dma_wait3A_17 = tpu.memref_squeeze %dma_wait3A_16 : memref<1x10240xf32, #tpu.memory_space<hbm>> -> memref<10240xf32, #tpu.memory_space<hbm>>
      %dma_wait3A_18 = arith.constant 0 : i32
      %dma_wait3A_19 = tpu.memref_slice %arg3[%add3A, %dma_wait3A_18] : memref<32x10240xf32, #tpu.memory_space<hbm>> -> memref<1x10240xf32, #tpu.memory_space<hbm>>
      %dma_wait3A_20 = tpu.memref_squeeze %dma_wait3A_19 : memref<1x10240xf32, #tpu.memory_space<hbm>> -> memref<10240xf32, #tpu.memory_space<hbm>>
      tpu.wait_dma2 semaphore(%run_scoped3A : memref<!tpu.dma_semaphore, #tpu.memory_space<semaphore_mem>>) src(%arg4 : memref<10240xf32, #tpu.memory_space<vmem>>) dst(%dma_wait3A_20 : memref<10240xf32, #tpu.memory_space<hbm>>)
      tpu.yield
    }) : () -> ()
    return
  }
}

#map = affine_map<(d0, d1) -> (0, 0, 0)>
module attributes {stable_mosaic.version = 14 : i64} {
  func.func @_sc_agg_kernel(%arg0: i32, %arg1: i32, %arg2: memref<2x10000x64xbf16, #tpu.memory_space<hbm>>, %arg3: memref<16x320x64xi32, #tpu.memory_space<hbm>>, %arg4: memref<16x320x64xi32, #tpu.memory_space<hbm>>, %arg5: memref<2x10240x64xbf16, #tpu.memory_space<hbm>>, %arg6: memref<2x32x64xi32, #tpu.memory_space<vmem>>, %arg7: memref<2x32x64xi32, #tpu.memory_space<vmem>>, %arg8: memref<64xi32, #tpu.memory_space<vmem>>, %arg9: memref<64xi32, #tpu.memory_space<vmem>>, %arg10: memref<64xi32, #tpu.memory_space<vmem>>, %arg11: memref<64xi32, #tpu.memory_space<vmem>>, %arg12: memref<64x64xbf16, #tpu.memory_space<vmem>>, %arg13: memref<64x64xbf16, #tpu.memory_space<vmem>>, %arg14: memref<10240x64xbf16, #tpu.memory_space<vmem_shared>>, %arg15: memref<10240x64xbf16, #tpu.memory_space<vmem_shared>>, %arg16: memref<!tpu.dma_semaphore, #tpu.memory_space<semaphore_mem>>, %arg17: memref<!tpu.dma_semaphore, #tpu.memory_space<semaphore_mem>>, %arg18: memref<!tpu.dma_semaphore, #tpu.memory_space<semaphore_mem>>, %arg19: memref<!tpu.dma_semaphore, #tpu.memory_space<semaphore_mem>>, %arg20: memref<!tpu.dma_semaphore, #tpu.memory_space<semaphore_mem>>) attributes {dimension_semantics = [#tpu.dimension_semantics<core_parallel>, #tpu.dimension_semantics<subcore_parallel>], iteration_bounds = array<i64: 2, 16>, scalar_prefetch = 0 : i64, scratch_operands = 15 : i64, tpu.core_type = #tpu.core_type<sc_vector_subcore>, window_params = [{transform_indices = #map}, {transform_indices = #map}, {transform_indices = #map}, {transform_indices = #map}]} {
    %lt3A = arith.constant 15 : i32
    %lt3A_0 = arith.cmpi slt, %arg1, %lt3A : i32
    %convert_element_type3A = arith.extui %lt3A_0 : i1 to i32
    %cond3A = arith.constant 0 : i32
    %cond3A_1 = arith.cmpi ne, %convert_element_type3A, %cond3A : i32
    scf.if %cond3A_1 {
      %mul3A = arith.constant 640 : i32
      %mul3A_27 = arith.muli %arg1, %mul3A : i32
      %mul3A_28 = arith.constant 640 : i32
      %mul3A_29 = arith.muli %arg1, %mul3A_28 : i32
      "tpu.region"() ({
        %run_scoped3A_30 = tpu.sem_alloc : memref<!tpu.dma_semaphore, #tpu.memory_space<semaphore_mem>>
        %dma_start3A = arith.constant 0 : i32
        %dma_start3A_31 = tpu.memref_slice %arg14[%mul3A_29, %dma_start3A] : memref<10240x64xbf16, #tpu.memory_space<vmem_shared>> -> memref<640x64xbf16, #tpu.memory_space<vmem_shared>>
        %dma_start3A_32 = arith.constant 0 : i32
        %dma_start3A_33 = tpu.memref_slice %arg2[%arg0, %mul3A_27, %dma_start3A_32] : memref<2x10000x64xbf16, #tpu.memory_space<hbm>> -> memref<1x640x64xbf16, #tpu.memory_space<hbm>>
        %dma_start3A_34 = tpu.memref_squeeze %dma_start3A_33 : memref<1x640x64xbf16, #tpu.memory_space<hbm>> -> memref<640x64xbf16, #tpu.memory_space<hbm>>
        tpu.enqueue_dma source(%dma_start3A_34 : memref<640x64xbf16, #tpu.memory_space<hbm>>) target(%dma_start3A_31 : memref<640x64xbf16, #tpu.memory_space<vmem_shared>>) target_semaphore(%run_scoped3A_30 : memref<!tpu.dma_semaphore, #tpu.memory_space<semaphore_mem>>)
        %dma_wait3A = arith.constant 0 : i32
        %dma_wait3A_35 = tpu.memref_slice %arg14[%mul3A_29, %dma_wait3A] : memref<10240x64xbf16, #tpu.memory_space<vmem_shared>> -> memref<640x64xbf16, #tpu.memory_space<vmem_shared>>
        %dma_wait3A_36 = arith.constant 0 : i32
        %dma_wait3A_37 = tpu.memref_slice %arg2[%arg0, %mul3A_27, %dma_wait3A_36] : memref<2x10000x64xbf16, #tpu.memory_space<hbm>> -> memref<1x640x64xbf16, #tpu.memory_space<hbm>>
        %dma_wait3A_38 = tpu.memref_squeeze %dma_wait3A_37 : memref<1x640x64xbf16, #tpu.memory_space<hbm>> -> memref<640x64xbf16, #tpu.memory_space<hbm>>
        tpu.wait_dma2 semaphore(%run_scoped3A_30 : memref<!tpu.dma_semaphore, #tpu.memory_space<semaphore_mem>>) src(%dma_wait3A_38 : memref<640x64xbf16, #tpu.memory_space<hbm>>) dst(%dma_wait3A_35 : memref<640x64xbf16, #tpu.memory_space<vmem_shared>>)
        tpu.yield
      }) : () -> ()
    } else {
    }
    %eq3A = arith.constant 15 : i32
    %eq3A_2 = arith.cmpi eq, %arg1, %eq3A : i32
    %convert_element_type3A_3 = arith.extui %eq3A_2 : i1 to i32
    %cond3A_4 = arith.constant 0 : i32
    %cond3A_5 = arith.cmpi ne, %convert_element_type3A_3, %cond3A_4 : i32
    scf.if %cond3A_5 {
      "tpu.region"() ({
        %run_scoped3A_27 = tpu.sem_alloc : memref<!tpu.dma_semaphore, #tpu.memory_space<semaphore_mem>>
        %dma_start3A = arith.constant 9600 : i32
        %dma_start3A_28 = arith.constant 0 : i32
        %dma_start3A_29 = tpu.memref_slice %arg14[%dma_start3A, %dma_start3A_28] : memref<10240x64xbf16, #tpu.memory_space<vmem_shared>> -> memref<400x64xbf16, #tpu.memory_space<vmem_shared>>
        %dma_start3A_30 = arith.constant 9600 : i32
        %dma_start3A_31 = arith.constant 0 : i32
        %dma_start3A_32 = tpu.memref_slice %arg2[%arg0, %dma_start3A_30, %dma_start3A_31] : memref<2x10000x64xbf16, #tpu.memory_space<hbm>> -> memref<1x400x64xbf16, #tpu.memory_space<hbm>>
        %dma_start3A_33 = tpu.memref_squeeze %dma_start3A_32 : memref<1x400x64xbf16, #tpu.memory_space<hbm>> -> memref<400x64xbf16, #tpu.memory_space<hbm>>
        tpu.enqueue_dma source(%dma_start3A_33 : memref<400x64xbf16, #tpu.memory_space<hbm>>) target(%dma_start3A_29 : memref<400x64xbf16, #tpu.memory_space<vmem_shared>>) target_semaphore(%run_scoped3A_27 : memref<!tpu.dma_semaphore, #tpu.memory_space<semaphore_mem>>)
        %dma_wait3A = arith.constant 9600 : i32
        %dma_wait3A_34 = arith.constant 0 : i32
        %dma_wait3A_35 = tpu.memref_slice %arg14[%dma_wait3A, %dma_wait3A_34] : memref<10240x64xbf16, #tpu.memory_space<vmem_shared>> -> memref<400x64xbf16, #tpu.memory_space<vmem_shared>>
        %dma_wait3A_36 = arith.constant 9600 : i32
        %dma_wait3A_37 = arith.constant 0 : i32
        %dma_wait3A_38 = tpu.memref_slice %arg2[%arg0, %dma_wait3A_36, %dma_wait3A_37] : memref<2x10000x64xbf16, #tpu.memory_space<hbm>> -> memref<1x400x64xbf16, #tpu.memory_space<hbm>>
        %dma_wait3A_39 = tpu.memref_squeeze %dma_wait3A_38 : memref<1x400x64xbf16, #tpu.memory_space<hbm>> -> memref<400x64xbf16, #tpu.memory_space<hbm>>
        tpu.wait_dma2 semaphore(%run_scoped3A_27 : memref<!tpu.dma_semaphore, #tpu.memory_space<semaphore_mem>>) src(%dma_wait3A_39 : memref<400x64xbf16, #tpu.memory_space<hbm>>) dst(%dma_wait3A_35 : memref<400x64xbf16, #tpu.memory_space<vmem_shared>>)
        tpu.yield
      }) : () -> ()
    } else {
    }
    %scan3A = arith.constant 0 : i32
    %scan3A_6 = arith.constant 64 : i32
    %scan3A_7 = arith.addi %scan3A, %scan3A_6 : i32
    %scan3A_8 = arith.constant 1 : i32
    scf.for %scan3A_27 = %scan3A to %scan3A_7 step %scan3A_8  : i32 {
      %mul3A = arith.constant 1 : i32
      %mul3A_28 = arith.muli %scan3A_27, %mul3A : i32
      %add3A = arith.constant 0 : i32
      %add3A_29 = arith.addi %add3A, %mul3A_28 : i32
      %scan3A_30 = arith.constant 0 : i32
      %scan3A_31 = arith.constant 2 : i32
      %scan3A_32 = arith.addi %scan3A_30, %scan3A_31 : i32
      %scan3A_33 = arith.constant 1 : i32
      scf.for %scan3A_35 = %scan3A_30 to %scan3A_32 step %scan3A_33  : i32 {
        %mul3A_36 = arith.constant 32 : i32
        %mul3A_37 = arith.muli %scan3A_35, %mul3A_36 : i32
        %add3A_38 = arith.constant 0 : i32
        %add3A_39 = arith.addi %add3A_38, %mul3A_37 : i32
        %broadcast_in_dim3A = arith.constant 0.000000e+00 : bf16
        %broadcast_in_dim3A_40 = vector.broadcast %broadcast_in_dim3A : bf16 to vector<32xbf16>
        %swap3A = arith.index_cast %add3A_29 : i32 to index
        %swap3A_41 = arith.index_cast %add3A_39 : i32 to index
        %swap3A_42 = tpu.vector_load %arg12[%swap3A, %swap3A_41] {strides = array<i32>} : memref<64x64xbf16, #tpu.memory_space<vmem>>, vector<32xbf16>,
        tpu.vector_store %arg12[%swap3A, %swap3A_41], %broadcast_in_dim3A_40 {strides = array<i32>} : memref<64x64xbf16, #tpu.memory_space<vmem>>, vector<32xbf16>,
      }
      %scan3A_34 = arith.constant 2 : i32
    }
    %scan3A_9 = arith.constant 64 : i32
    %scan3A_10 = arith.constant 0 : i32
    %scan3A_11 = arith.constant 10 : i32
    %scan3A_12 = arith.addi %scan3A_10, %scan3A_11 : i32
    %scan3A_13 = arith.constant 1 : i32
    scf.for %scan3A_27 = %scan3A_10 to %scan3A_12 step %scan3A_13  : i32 {
      %mul3A = arith.constant 64 : i32
      %mul3A_28 = arith.muli %scan3A_27, %mul3A : i32
      %add3A = arith.constant 0 : i32
      %add3A_29 = arith.addi %add3A, %mul3A_28 : i32
      %mul3A_30 = arith.constant 640 : i32
      %mul3A_31 = arith.muli %arg1, %mul3A_30 : i32
      %add3A_32 = arith.addi %mul3A_31, %add3A_29 : i32
      "tpu.region"() ({
        %run_scoped3A_33 = tpu.sem_alloc : memref<!tpu.dma_semaphore, #tpu.memory_space<semaphore_mem>>
        %dma_start3A = arith.constant 0 : i32
        %dma_start3A_34 = tpu.memref_slice %arg15[%add3A_32, %dma_start3A] : memref<10240x64xbf16, #tpu.memory_space<vmem_shared>> -> memref<64x64xbf16, #tpu.memory_space<vmem_shared>>
        %dma_start3A_35 = arith.constant 0 : i32
        %dma_start3A_36 = tpu.memref_slice %arg15[%add3A_32, %dma_start3A_35] : memref<10240x64xbf16, #tpu.memory_space<vmem_shared>> -> memref<64x64xbf16, #tpu.memory_space<vmem_shared>>
        tpu.enqueue_dma source(%arg12 : memref<64x64xbf16, #tpu.memory_space<vmem>>) target(%dma_start3A_36 : memref<64x64xbf16, #tpu.memory_space<vmem_shared>>) target_semaphore(%run_scoped3A_33 : memref<!tpu.dma_semaphore, #tpu.memory_space<semaphore_mem>>)
        %dma_wait3A = arith.constant 0 : i32
        %dma_wait3A_37 = tpu.memref_slice %arg15[%add3A_32, %dma_wait3A] : memref<10240x64xbf16, #tpu.memory_space<vmem_shared>> -> memref<64x64xbf16, #tpu.memory_space<vmem_shared>>
        %dma_wait3A_38 = arith.constant 0 : i32
        %dma_wait3A_39 = tpu.memref_slice %arg15[%add3A_32, %dma_wait3A_38] : memref<10240x64xbf16, #tpu.memory_space<vmem_shared>> -> memref<64x64xbf16, #tpu.memory_space<vmem_shared>>
        tpu.wait_dma2 semaphore(%run_scoped3A_33 : memref<!tpu.dma_semaphore, #tpu.memory_space<semaphore_mem>>) src(%arg12 : memref<64x64xbf16, #tpu.memory_space<vmem>>) dst(%dma_wait3A_39 : memref<64x64xbf16, #tpu.memory_space<vmem_shared>>)
        tpu.yield
      }) : () -> ()
    }
    %scan3A_14 = arith.constant 10 : i32
    %run_scoped3A = arith.constant 0 : i32
    "tpu.region"() ({
      %run_scoped3A_27 = tpu.sem_alloc : memref<!tpu.dma_semaphore, #tpu.memory_space<semaphore_mem>>
      %dma_start3A = arith.constant 0 : i32
      %dma_start3A_28 = arith.constant 0 : i32
      %dma_start3A_29 = tpu.memref_slice %arg6[%run_scoped3A, %dma_start3A, %dma_start3A_28] : memref<2x32x64xi32, #tpu.memory_space<vmem>> -> memref<1x32x64xi32, #tpu.memory_space<vmem>>
      %dma_start3A_30 = tpu.memref_squeeze %dma_start3A_29 : memref<1x32x64xi32, #tpu.memory_space<vmem>> -> memref<32x64xi32, #tpu.memory_space<vmem>>
      %dma_start3A_31 = arith.constant 0 : i32
      %dma_start3A_32 = arith.constant 0 : i32
      %dma_start3A_33 = tpu.memref_slice %arg3[%arg1, %dma_start3A_31, %dma_start3A_32] : memref<16x320x64xi32, #tpu.memory_space<hbm>> -> memref<1x32x64xi32, #tpu.memory_space<hbm>>
      %dma_start3A_34 = tpu.memref_squeeze %dma_start3A_33 : memref<1x32x64xi32, #tpu.memory_space<hbm>> -> memref<32x64xi32, #tpu.memory_space<hbm>>
      %dma_start3A_35 = arith.constant 0 : i32
      %dma_start3A_36 = arith.constant 0 : i32
      %dma_start3A_37 = tpu.memref_slice %arg6[%run_scoped3A, %dma_start3A_35, %dma_start3A_36] : memref<2x32x64xi32, #tpu.memory_space<vmem>> -> memref<1x32x64xi32, #tpu.memory_space<vmem>>
      %dma_start3A_38 = tpu.memref_squeeze %dma_start3A_37 : memref<1x32x64xi32, #tpu.memory_space<vmem>> -> memref<32x64xi32, #tpu.memory_space<vmem>>
      %dma_start3A_39 = arith.constant 0 : i32
      %dma_start3A_40 = arith.constant 0 : i32
      %dma_start3A_41 = tpu.memref_slice %arg3[%arg1, %dma_start3A_39, %dma_start3A_40] : memref<16x320x64xi32, #tpu.memory_space<hbm>> -> memref<1x32x64xi32, #tpu.memory_space<hbm>>
      %dma_start3A_42 = tpu.memref_squeeze %dma_start3A_41 : memref<1x32x64xi32, #tpu.memory_space<hbm>> -> memref<32x64xi32, #tpu.memory_space<hbm>>
      tpu.enqueue_dma source(%dma_start3A_42 : memref<32x64xi32, #tpu.memory_space<hbm>>) target(%dma_start3A_38 : memref<32x64xi32, #tpu.memory_space<vmem>>) target_semaphore(%run_scoped3A_27 : memref<!tpu.dma_semaphore, #tpu.memory_space<semaphore_mem>>)
      %dma_wait3A = arith.constant 0 : i32
      %dma_wait3A_43 = arith.constant 0 : i32
      %dma_wait3A_44 = tpu.memref_slice %arg6[%run_scoped3A, %dma_wait3A, %dma_wait3A_43] : memref<2x32x64xi32, #tpu.memory_space<vmem>> -> memref<1x32x64xi32, #tpu.memory_space<vmem>>
      %dma_wait3A_45 = tpu.memref_squeeze %dma_wait3A_44 : memref<1x32x64xi32, #tpu.memory_space<vmem>> -> memref<32x64xi32, #tpu.memory_space<vmem>>
      %dma_wait3A_46 = arith.constant 0 : i32
      %dma_wait3A_47 = arith.constant 0 : i32
      %dma_wait3A_48 = tpu.memref_slice %arg3[%arg1, %dma_wait3A_46, %dma_wait3A_47] : memref<16x320x64xi32, #tpu.memory_space<hbm>> -> memref<1x32x64xi32, #tpu.memory_space<hbm>>
      %dma_wait3A_49 = tpu.memref_squeeze %dma_wait3A_48 : memref<1x32x64xi32, #tpu.memory_space<hbm>> -> memref<32x64xi32, #tpu.memory_space<hbm>>
      %dma_wait3A_50 = arith.constant 0 : i32
      %dma_wait3A_51 = arith.constant 0 : i32
      %dma_wait3A_52 = tpu.memref_slice %arg6[%run_scoped3A, %dma_wait3A_50, %dma_wait3A_51] : memref<2x32x64xi32, #tpu.memory_space<vmem>> -> memref<1x32x64xi32, #tpu.memory_space<vmem>>
      %dma_wait3A_53 = tpu.memref_squeeze %dma_wait3A_52 : memref<1x32x64xi32, #tpu.memory_space<vmem>> -> memref<32x64xi32, #tpu.memory_space<vmem>>
      %dma_wait3A_54 = arith.constant 0 : i32
      %dma_wait3A_55 = arith.constant 0 : i32
      %dma_wait3A_56 = tpu.memref_slice %arg3[%arg1, %dma_wait3A_54, %dma_wait3A_55] : memref<16x320x64xi32, #tpu.memory_space<hbm>> -> memref<1x32x64xi32, #tpu.memory_space<hbm>>
      %dma_wait3A_57 = tpu.memref_squeeze %dma_wait3A_56 : memref<1x32x64xi32, #tpu.memory_space<hbm>> -> memref<32x64xi32, #tpu.memory_space<hbm>>
      tpu.wait_dma2 semaphore(%run_scoped3A_27 : memref<!tpu.dma_semaphore, #tpu.memory_space<semaphore_mem>>) src(%dma_wait3A_57 : memref<32x64xi32, #tpu.memory_space<hbm>>) dst(%dma_wait3A_53 : memref<32x64xi32, #tpu.memory_space<vmem>>)
      tpu.yield
    }) : () -> ()
    %run_scoped3A_15 = arith.constant 0 : i32
    "tpu.region"() ({
      %run_scoped3A_27 = tpu.sem_alloc : memref<!tpu.dma_semaphore, #tpu.memory_space<semaphore_mem>>
      %dma_start3A = arith.constant 0 : i32
      %dma_start3A_28 = arith.constant 0 : i32
      %dma_start3A_29 = tpu.memref_slice %arg7[%run_scoped3A_15, %dma_start3A, %dma_start3A_28] : memref<2x32x64xi32, #tpu.memory_space<vmem>> -> memref<1x32x64xi32, #tpu.memory_space<vmem>>
      %dma_start3A_30 = tpu.memref_squeeze %dma_start3A_29 : memref<1x32x64xi32, #tpu.memory_space<vmem>> -> memref<32x64xi32, #tpu.memory_space<vmem>>
      %dma_start3A_31 = arith.constant 0 : i32
      %dma_start3A_32 = arith.constant 0 : i32
      %dma_start3A_33 = tpu.memref_slice %arg4[%arg1, %dma_start3A_31, %dma_start3A_32] : memref<16x320x64xi32, #tpu.memory_space<hbm>> -> memref<1x32x64xi32, #tpu.memory_space<hbm>>
      %dma_start3A_34 = tpu.memref_squeeze %dma_start3A_33 : memref<1x32x64xi32, #tpu.memory_space<hbm>> -> memref<32x64xi32, #tpu.memory_space<hbm>>
      %dma_start3A_35 = arith.constant 0 : i32
      %dma_start3A_36 = arith.constant 0 : i32
      %dma_start3A_37 = tpu.memref_slice %arg7[%run_scoped3A_15, %dma_start3A_35, %dma_start3A_36] : memref<2x32x64xi32, #tpu.memory_space<vmem>> -> memref<1x32x64xi32, #tpu.memory_space<vmem>>
      %dma_start3A_38 = tpu.memref_squeeze %dma_start3A_37 : memref<1x32x64xi32, #tpu.memory_space<vmem>> -> memref<32x64xi32, #tpu.memory_space<vmem>>
      %dma_start3A_39 = arith.constant 0 : i32
      %dma_start3A_40 = arith.constant 0 : i32
      %dma_start3A_41 = tpu.memref_slice %arg4[%arg1, %dma_start3A_39, %dma_start3A_40] : memref<16x320x64xi32, #tpu.memory_space<hbm>> -> memref<1x32x64xi32, #tpu.memory_space<hbm>>
      %dma_start3A_42 = tpu.memref_squeeze %dma_start3A_41 : memref<1x32x64xi32, #tpu.memory_space<hbm>> -> memref<32x64xi32, #tpu.memory_space<hbm>>
      tpu.enqueue_dma source(%dma_start3A_42 : memref<32x64xi32, #tpu.memory_space<hbm>>) target(%dma_start3A_38 : memref<32x64xi32, #tpu.memory_space<vmem>>) target_semaphore(%run_scoped3A_27 : memref<!tpu.dma_semaphore, #tpu.memory_space<semaphore_mem>>)
      %dma_wait3A = arith.constant 0 : i32
      %dma_wait3A_43 = arith.constant 0 : i32
      %dma_wait3A_44 = tpu.memref_slice %arg7[%run_scoped3A_15, %dma_wait3A, %dma_wait3A_43] : memref<2x32x64xi32, #tpu.memory_space<vmem>> -> memref<1x32x64xi32, #tpu.memory_space<vmem>>
      %dma_wait3A_45 = tpu.memref_squeeze %dma_wait3A_44 : memref<1x32x64xi32, #tpu.memory_space<vmem>> -> memref<32x64xi32, #tpu.memory_space<vmem>>
      %dma_wait3A_46 = arith.constant 0 : i32
      %dma_wait3A_47 = arith.constant 0 : i32
      %dma_wait3A_48 = tpu.memref_slice %arg4[%arg1, %dma_wait3A_46, %dma_wait3A_47] : memref<16x320x64xi32, #tpu.memory_space<hbm>> -> memref<1x32x64xi32, #tpu.memory_space<hbm>>
      %dma_wait3A_49 = tpu.memref_squeeze %dma_wait3A_48 : memref<1x32x64xi32, #tpu.memory_space<hbm>> -> memref<32x64xi32, #tpu.memory_space<hbm>>
      %dma_wait3A_50 = arith.constant 0 : i32
      %dma_wait3A_51 = arith.constant 0 : i32
      %dma_wait3A_52 = tpu.memref_slice %arg7[%run_scoped3A_15, %dma_wait3A_50, %dma_wait3A_51] : memref<2x32x64xi32, #tpu.memory_space<vmem>> -> memref<1x32x64xi32, #tpu.memory_space<vmem>>
      %dma_wait3A_53 = tpu.memref_squeeze %dma_wait3A_52 : memref<1x32x64xi32, #tpu.memory_space<vmem>> -> memref<32x64xi32, #tpu.memory_space<vmem>>
      %dma_wait3A_54 = arith.constant 0 : i32
      %dma_wait3A_55 = arith.constant 0 : i32
      %dma_wait3A_56 = tpu.memref_slice %arg4[%arg1, %dma_wait3A_54, %dma_wait3A_55] : memref<16x320x64xi32, #tpu.memory_space<hbm>> -> memref<1x32x64xi32, #tpu.memory_space<hbm>>
      %dma_wait3A_57 = tpu.memref_squeeze %dma_wait3A_56 : memref<1x32x64xi32, #tpu.memory_space<hbm>> -> memref<32x64xi32, #tpu.memory_space<hbm>>
      tpu.wait_dma2 semaphore(%run_scoped3A_27 : memref<!tpu.dma_semaphore, #tpu.memory_space<semaphore_mem>>) src(%dma_wait3A_57 : memref<32x64xi32, #tpu.memory_space<hbm>>) dst(%dma_wait3A_53 : memref<32x64xi32, #tpu.memory_space<vmem>>)
      tpu.yield
    }) : () -> ()
    %barrier3A = arith.constant 0 : index
    tpu.barrier barrier_id(%barrier3A)
    %scan3A_16 = arith.constant 0 : i32
    %scan3A_17 = arith.constant 10 : i32
    %scan3A_18 = arith.addi %scan3A_16, %scan3A_17 : i32
    %scan3A_19 = arith.constant 1 : i32
    scf.for %scan3A_27 = %scan3A_16 to %scan3A_18 step %scan3A_19  : i32 {
      %mul3A = arith.constant 1 : i32
      %mul3A_28 = arith.muli %scan3A_27, %mul3A : i32
      %add3A = arith.constant 0 : i32
      %add3A_29 = arith.addi %add3A, %mul3A_28 : i32
      %jit3A = arith.constant 2 : i32
      %eq3A_30 = arith.constant 0 : i32
      %eq3A_31 = arith.cmpi eq, %jit3A, %eq3A_30 : i32
      %jit3A_32 = arith.constant 1 : i32
      %select_n3A = arith.select %eq3A_31, %jit3A_32, %jit3A : i32
      %rem3A = arith.remsi %add3A_29, %select_n3A : i32
      %ne3A = arith.constant 0 : i32
      %ne3A_33 = arith.cmpi ne, %rem3A, %ne3A : i32
      %lt3A_34 = arith.constant 0 : i32
      %lt3A_35 = arith.cmpi slt, %rem3A, %lt3A_34 : i32
      %lt3A_36 = arith.constant 0 : i32
      %lt3A_37 = arith.cmpi slt, %select_n3A, %lt3A_36 : i32
      %ne3A_38 = arith.xori %lt3A_35, %lt3A_37 : i1
      %and3A = arith.andi %ne3A_38, %ne3A_33 : i1
      %add3A_39 = arith.addi %rem3A, %select_n3A : i32
      %select_n3A_40 = arith.select %and3A, %add3A_39, %rem3A : i32
      %gt3A = arith.constant 0 : i32
      %gt3A_41 = arith.cmpi sgt, %add3A_29, %gt3A : i32
      %convert_element_type3A_42 = arith.extui %gt3A_41 : i1 to i32
      %cond3A_43 = arith.constant 0 : i32
      %cond3A_44 = arith.cmpi ne, %convert_element_type3A_42, %cond3A_43 : i32
      scf.if %cond3A_44 {
        %dma_wait3A_111 = arith.constant 0 : i32
        %dma_wait3A_112 = arith.constant 0 : i32
        %dma_wait3A_113 = arith.constant 0 : i32
        %dma_wait3A_114 = tpu.memref_slice %arg6[%dma_wait3A_111, %dma_wait3A_112, %dma_wait3A_113] : memref<2x32x64xi32, #tpu.memory_space<vmem>> -> memref<1x32x64xi32, #tpu.memory_space<vmem>>
        %dma_wait3A_115 = tpu.memref_squeeze %dma_wait3A_114 : memref<1x32x64xi32, #tpu.memory_space<vmem>> -> memref<32x64xi32, #tpu.memory_space<vmem>>
        %dma_wait3A_116 = arith.constant 0 : i32
        %dma_wait3A_117 = arith.constant 0 : i32
        %dma_wait3A_118 = tpu.memref_slice %arg3[%arg1, %dma_wait3A_116, %dma_wait3A_117] : memref<16x320x64xi32, #tpu.memory_space<hbm>> -> memref<1x32x64xi32, #tpu.memory_space<hbm>>
        %dma_wait3A_119 = tpu.memref_squeeze %dma_wait3A_118 : memref<1x32x64xi32, #tpu.memory_space<hbm>> -> memref<32x64xi32, #tpu.memory_space<hbm>>
        %dma_wait3A_120 = arith.constant 0 : i32
        %dma_wait3A_121 = arith.constant 0 : i32
        %dma_wait3A_122 = tpu.memref_slice %arg6[%dma_wait3A_111, %dma_wait3A_120, %dma_wait3A_121] : memref<2x32x64xi32, #tpu.memory_space<vmem>> -> memref<1x32x64xi32, #tpu.memory_space<vmem>>
        %dma_wait3A_123 = tpu.memref_squeeze %dma_wait3A_122 : memref<1x32x64xi32, #tpu.memory_space<vmem>> -> memref<32x64xi32, #tpu.memory_space<vmem>>
        %dma_wait3A_124 = arith.constant 0 : i32
        %dma_wait3A_125 = arith.constant 0 : i32
        %dma_wait3A_126 = tpu.memref_slice %arg3[%arg1, %dma_wait3A_124, %dma_wait3A_125] : memref<16x320x64xi32, #tpu.memory_space<hbm>> -> memref<1x32x64xi32, #tpu.memory_space<hbm>>
        %dma_wait3A_127 = tpu.memref_squeeze %dma_wait3A_126 : memref<1x32x64xi32, #tpu.memory_space<hbm>> -> memref<32x64xi32, #tpu.memory_space<hbm>>
        tpu.wait_dma2 semaphore(%arg20 : memref<!tpu.dma_semaphore, #tpu.memory_space<semaphore_mem>>) src(%dma_wait3A_127 : memref<32x64xi32, #tpu.memory_space<hbm>>) dst(%dma_wait3A_123 : memref<32x64xi32, #tpu.memory_space<vmem>>)
        %dma_wait3A_128 = arith.constant 0 : i32
        %dma_wait3A_129 = arith.constant 0 : i32
        %dma_wait3A_130 = arith.constant 0 : i32
        %dma_wait3A_131 = tpu.memref_slice %arg7[%dma_wait3A_128, %dma_wait3A_129, %dma_wait3A_130] : memref<2x32x64xi32, #tpu.memory_space<vmem>> -> memref<1x32x64xi32, #tpu.memory_space<vmem>>
        %dma_wait3A_132 = tpu.memref_squeeze %dma_wait3A_131 : memref<1x32x64xi32, #tpu.memory_space<vmem>> -> memref<32x64xi32, #tpu.memory_space<vmem>>
        %dma_wait3A_133 = arith.constant 0 : i32
        %dma_wait3A_134 = arith.constant 0 : i32
        %dma_wait3A_135 = tpu.memref_slice %arg4[%arg1, %dma_wait3A_133, %dma_wait3A_134] : memref<16x320x64xi32, #tpu.memory_space<hbm>> -> memref<1x32x64xi32, #tpu.memory_space<hbm>>
        %dma_wait3A_136 = tpu.memref_squeeze %dma_wait3A_135 : memref<1x32x64xi32, #tpu.memory_space<hbm>> -> memref<32x64xi32, #tpu.memory_space<hbm>>
        %dma_wait3A_137 = arith.constant 0 : i32
        %dma_wait3A_138 = arith.constant 0 : i32
        %dma_wait3A_139 = tpu.memref_slice %arg7[%dma_wait3A_128, %dma_wait3A_137, %dma_wait3A_138] : memref<2x32x64xi32, #tpu.memory_space<vmem>> -> memref<1x32x64xi32, #tpu.memory_space<vmem>>
        %dma_wait3A_140 = tpu.memref_squeeze %dma_wait3A_139 : memref<1x32x64xi32, #tpu.memory_space<vmem>> -> memref<32x64xi32, #tpu.memory_space<vmem>>
        %dma_wait3A_141 = arith.constant 0 : i32
        %dma_wait3A_142 = arith.constant 0 : i32
        %dma_wait3A_143 = tpu.memref_slice %arg4[%arg1, %dma_wait3A_141, %dma_wait3A_142] : memref<16x320x64xi32, #tpu.memory_space<hbm>> -> memref<1x32x64xi32, #tpu.memory_space<hbm>>
        %dma_wait3A_144 = tpu.memref_squeeze %dma_wait3A_143 : memref<1x32x64xi32, #tpu.memory_space<hbm>> -> memref<32x64xi32, #tpu.memory_space<hbm>>
        tpu.wait_dma2 semaphore(%arg20 : memref<!tpu.dma_semaphore, #tpu.memory_space<semaphore_mem>>) src(%dma_wait3A_144 : memref<32x64xi32, #tpu.memory_space<hbm>>) dst(%dma_wait3A_140 : memref<32x64xi32, #tpu.memory_space<vmem>>)
      } else {
      }
      %scan3A_45 = arith.constant 0 : i32
      %scan3A_46 = arith.constant 4 : i32
      %scan3A_47 = arith.addi %scan3A_45, %scan3A_46 : i32
      %scan3A_48 = arith.constant 1 : i32
      scf.for %scan3A_111 = %scan3A_45 to %scan3A_47 step %scan3A_48  : i32 {
        %mul3A_112 = arith.constant 16 : i32
        %mul3A_113 = arith.muli %scan3A_111, %mul3A_112 : i32
        %add3A_114 = arith.constant 0 : i32
        %add3A_115 = arith.addi %add3A_114, %mul3A_113 : i32
        %get3A = arith.constant 0 : i32
        %get3A_116 = arith.index_cast %select_n3A_40 : i32 to index
        %get3A_117 = arith.index_cast %get3A : i32 to index
        %get3A_118 = arith.index_cast %add3A_115 : i32 to index
        %get3A_119 = tpu.vector_load %arg6[%get3A_116, %get3A_117, %get3A_118] {strides = array<i32>} : memref<2x32x64xi32, #tpu.memory_space<vmem>>, vector<16xi32>,
        %swap3A = arith.index_cast %add3A_115 : i32 to index
        %swap3A_120 = tpu.vector_load %arg8[%swap3A] {strides = array<i32>} : memref<64xi32, #tpu.memory_space<vmem>>, vector<16xi32>,
        tpu.vector_store %arg8[%swap3A], %get3A_119 {strides = array<i32>} : memref<64xi32, #tpu.memory_space<vmem>>, vector<16xi32>,
      }
      %scan3A_49 = arith.constant 4 : i32
      %dma_start3A = arith.constant 0 : i32
      %dma_start3A_50 = arith.constant 0 : i32
      %dma_start3A_51 = tpu.memref_slice %arg14[%dma_start3A, %dma_start3A_50] : memref<10240x64xbf16, #tpu.memory_space<vmem_shared>> -> memref<10240x64xbf16, #tpu.memory_space<vmem_shared>>
      tpu.enqueue_indirect_dma source(%dma_start3A_51 : memref<10240x64xbf16, #tpu.memory_space<vmem_shared>>) target(%arg12 : memref<64x64xbf16, #tpu.memory_space<vmem>>) offsets(%arg8 : memref<64xi32, #tpu.memory_space<vmem>>) semaphore(%arg16 : memref<!tpu.dma_semaphore, #tpu.memory_space<semaphore_mem>>)
      %scan3A_52 = arith.constant 0 : i32
      %scan3A_53 = arith.constant 4 : i32
      %scan3A_54 = arith.addi %scan3A_52, %scan3A_53 : i32
      %scan3A_55 = arith.constant 1 : i32
      scf.for %scan3A_111 = %scan3A_52 to %scan3A_54 step %scan3A_55  : i32 {
        %mul3A_112 = arith.constant 16 : i32
        %mul3A_113 = arith.muli %scan3A_111, %mul3A_112 : i32
        %add3A_114 = arith.constant 0 : i32
        %add3A_115 = arith.addi %add3A_114, %mul3A_113 : i32
        %get3A = arith.constant 1 : i32
        %get3A_116 = arith.index_cast %select_n3A_40 : i32 to index
        %get3A_117 = arith.index_cast %get3A : i32 to index
        %get3A_118 = arith.index_cast %add3A_115 : i32 to index
        %get3A_119 = tpu.vector_load %arg6[%get3A_116, %get3A_117, %get3A_118] {strides = array<i32>} : memref<2x32x64xi32, #tpu.memory_space<vmem>>, vector<16xi32>,
        %swap3A = arith.index_cast %add3A_115 : i32 to index
        %swap3A_120 = tpu.vector_load %arg9[%swap3A] {strides = array<i32>} : memref<64xi32, #tpu.memory_space<vmem>>, vector<16xi32>,
        tpu.vector_store %arg9[%swap3A], %get3A_119 {strides = array<i32>} : memref<64xi32, #tpu.memory_space<vmem>>, vector<16xi32>,
      }
      %scan3A_56 = arith.constant 4 : i32
      %dma_start3A_57 = arith.constant 0 : i32
      %dma_start3A_58 = arith.constant 0 : i32
      %dma_start3A_59 = tpu.memref_slice %arg14[%dma_start3A_57, %dma_start3A_58] : memref<10240x64xbf16, #tpu.memory_space<vmem_shared>> -> memref<10240x64xbf16, #tpu.memory_space<vmem_shared>>
      tpu.enqueue_indirect_dma source(%dma_start3A_59 : memref<10240x64xbf16, #tpu.memory_space<vmem_shared>>) target(%arg13 : memref<64x64xbf16, #tpu.memory_space<vmem>>) offsets(%arg9 : memref<64xi32, #tpu.memory_space<vmem>>) semaphore(%arg17 : memref<!tpu.dma_semaphore, #tpu.memory_space<semaphore_mem>>)
      %add3A_60 = arith.constant 1 : i32
      %add3A_61 = arith.addi %add3A_29, %add3A_60 : i32
      %lt3A_62 = arith.constant 10 : i32
      %lt3A_63 = arith.cmpi slt, %add3A_61, %lt3A_62 : i32
      %convert_element_type3A_64 = arith.extui %lt3A_63 : i1 to i32
      %cond3A_65 = arith.constant 0 : i32
      %cond3A_66 = arith.cmpi ne, %convert_element_type3A_64, %cond3A_65 : i32
      scf.if %cond3A_66 {
        %add3A_111 = arith.constant 1 : i32
        %add3A_112 = arith.addi %add3A_29, %add3A_111 : i32
        %mul3A_113 = arith.constant 32 : i32
        %mul3A_114 = arith.muli %add3A_112, %mul3A_113 : i32
        %sub3A = arith.constant 1 : i32
        %sub3A_115 = arith.subi %sub3A, %select_n3A_40 : i32
        %dma_start3A_116 = arith.constant 0 : i32
        %dma_start3A_117 = arith.constant 0 : i32
        %dma_start3A_118 = tpu.memref_slice %arg6[%sub3A_115, %dma_start3A_116, %dma_start3A_117] : memref<2x32x64xi32, #tpu.memory_space<vmem>> -> memref<1x32x64xi32, #tpu.memory_space<vmem>>
        %dma_start3A_119 = tpu.memref_squeeze %dma_start3A_118 : memref<1x32x64xi32, #tpu.memory_space<vmem>> -> memref<32x64xi32, #tpu.memory_space<vmem>>
        %dma_start3A_120 = arith.constant 0 : i32
        %dma_start3A_121 = tpu.memref_slice %arg3[%arg1, %mul3A_114, %dma_start3A_120] : memref<16x320x64xi32, #tpu.memory_space<hbm>> -> memref<1x32x64xi32, #tpu.memory_space<hbm>>
        %dma_start3A_122 = tpu.memref_squeeze %dma_start3A_121 : memref<1x32x64xi32, #tpu.memory_space<hbm>> -> memref<32x64xi32, #tpu.memory_space<hbm>>
        %dma_start3A_123 = arith.constant 0 : i32
        %dma_start3A_124 = arith.constant 0 : i32
        %dma_start3A_125 = tpu.memref_slice %arg6[%sub3A_115, %dma_start3A_123, %dma_start3A_124] : memref<2x32x64xi32, #tpu.memory_space<vmem>> -> memref<1x32x64xi32, #tpu.memory_space<vmem>>
        %dma_start3A_126 = tpu.memref_squeeze %dma_start3A_125 : memref<1x32x64xi32, #tpu.memory_space<vmem>> -> memref<32x64xi32, #tpu.memory_space<vmem>>
        %dma_start3A_127 = arith.constant 0 : i32
        %dma_start3A_128 = tpu.memref_slice %arg3[%arg1, %mul3A_114, %dma_start3A_127] : memref<16x320x64xi32, #tpu.memory_space<hbm>> -> memref<1x32x64xi32, #tpu.memory_space<hbm>>
        %dma_start3A_129 = tpu.memref_squeeze %dma_start3A_128 : memref<1x32x64xi32, #tpu.memory_space<hbm>> -> memref<32x64xi32, #tpu.memory_space<hbm>>
        tpu.enqueue_dma source(%dma_start3A_129 : memref<32x64xi32, #tpu.memory_space<hbm>>) target(%dma_start3A_126 : memref<32x64xi32, #tpu.memory_space<vmem>>) target_semaphore(%arg20 : memref<!tpu.dma_semaphore, #tpu.memory_space<semaphore_mem>>)
        %add3A_130 = arith.constant 1 : i32
        %add3A_131 = arith.addi %add3A_29, %add3A_130 : i32
        %mul3A_132 = arith.constant 32 : i32
        %mul3A_133 = arith.muli %add3A_131, %mul3A_132 : i32
        %sub3A_134 = arith.constant 1 : i32
        %sub3A_135 = arith.subi %sub3A_134, %select_n3A_40 : i32
        %dma_start3A_136 = arith.constant 0 : i32
        %dma_start3A_137 = arith.constant 0 : i32
        %dma_start3A_138 = tpu.memref_slice %arg7[%sub3A_135, %dma_start3A_136, %dma_start3A_137] : memref<2x32x64xi32, #tpu.memory_space<vmem>> -> memref<1x32x64xi32, #tpu.memory_space<vmem>>
        %dma_start3A_139 = tpu.memref_squeeze %dma_start3A_138 : memref<1x32x64xi32, #tpu.memory_space<vmem>> -> memref<32x64xi32, #tpu.memory_space<vmem>>
        %dma_start3A_140 = arith.constant 0 : i32
        %dma_start3A_141 = tpu.memref_slice %arg4[%arg1, %mul3A_133, %dma_start3A_140] : memref<16x320x64xi32, #tpu.memory_space<hbm>> -> memref<1x32x64xi32, #tpu.memory_space<hbm>>
        %dma_start3A_142 = tpu.memref_squeeze %dma_start3A_141 : memref<1x32x64xi32, #tpu.memory_space<hbm>> -> memref<32x64xi32, #tpu.memory_space<hbm>>
        %dma_start3A_143 = arith.constant 0 : i32
        %dma_start3A_144 = arith.constant 0 : i32
        %dma_start3A_145 = tpu.memref_slice %arg7[%sub3A_135, %dma_start3A_143, %dma_start3A_144] : memref<2x32x64xi32, #tpu.memory_space<vmem>> -> memref<1x32x64xi32, #tpu.memory_space<vmem>>
        %dma_start3A_146 = tpu.memref_squeeze %dma_start3A_145 : memref<1x32x64xi32, #tpu.memory_space<vmem>> -> memref<32x64xi32, #tpu.memory_space<vmem>>
        %dma_start3A_147 = arith.constant 0 : i32
        %dma_start3A_148 = tpu.memref_slice %arg4[%arg1, %mul3A_133, %dma_start3A_147] : memref<16x320x64xi32, #tpu.memory_space<hbm>> -> memref<1x32x64xi32, #tpu.memory_space<hbm>>
        %dma_start3A_149 = tpu.memref_squeeze %dma_start3A_148 : memref<1x32x64xi32, #tpu.memory_space<hbm>> -> memref<32x64xi32, #tpu.memory_space<hbm>>
        tpu.enqueue_dma source(%dma_start3A_149 : memref<32x64xi32, #tpu.memory_space<hbm>>) target(%dma_start3A_146 : memref<32x64xi32, #tpu.memory_space<vmem>>) target_semaphore(%arg20 : memref<!tpu.dma_semaphore, #tpu.memory_space<semaphore_mem>>)
      } else {
      }
      %scan3A_67 = arith.constant 0 : i32
      %scan3A_68 = arith.constant 15 : i32
      %scan3A_69 = arith.addi %scan3A_67, %scan3A_68 : i32
      %scan3A_70 = arith.constant 1 : i32
      scf.for %scan3A_111 = %scan3A_67 to %scan3A_69 step %scan3A_70  : i32 {
        %mul3A_112 = arith.constant 2 : i32
        %mul3A_113 = arith.muli %scan3A_111, %mul3A_112 : i32
        %add3A_114 = arith.constant 0 : i32
        %add3A_115 = arith.addi %add3A_114, %mul3A_113 : i32
        %dma_wait3A_116 = arith.constant 0 : i32
        %dma_wait3A_117 = arith.constant 0 : i32
        %dma_wait3A_118 = tpu.memref_slice %arg14[%dma_wait3A_116, %dma_wait3A_117] : memref<10240x64xbf16, #tpu.memory_space<vmem_shared>> -> memref<64x64xbf16, #tpu.memory_space<vmem_shared>>
        %dma_wait3A_119 = arith.constant 0 : i32
        %dma_wait3A_120 = arith.constant 0 : i32
        %dma_wait3A_121 = tpu.memref_slice %arg14[%dma_wait3A_119, %dma_wait3A_120] : memref<10240x64xbf16, #tpu.memory_space<vmem_shared>> -> memref<64x64xbf16, #tpu.memory_space<vmem_shared>>
        tpu.wait_dma2 semaphore(%arg16 : memref<!tpu.dma_semaphore, #tpu.memory_space<semaphore_mem>>) src(%dma_wait3A_121 : memref<64x64xbf16, #tpu.memory_space<vmem_shared>>) dst(%arg12 : memref<64x64xbf16, #tpu.memory_space<vmem>>)
        %scan3A_122 = arith.constant 0 : i32
        %scan3A_123 = arith.constant 4 : i32
        %scan3A_124 = arith.addi %scan3A_122, %scan3A_123 : i32
        %scan3A_125 = arith.constant 1 : i32
        scf.for %scan3A_178 = %scan3A_122 to %scan3A_124 step %scan3A_125  : i32 {
          %mul3A_179 = arith.constant 16 : i32
          %mul3A_180 = arith.muli %scan3A_178, %mul3A_179 : i32
          %add3A_181 = arith.constant 0 : i32
          %add3A_182 = arith.addi %add3A_181, %mul3A_180 : i32
          %get3A = arith.index_cast %select_n3A_40 : i32 to index
          %get3A_183 = arith.index_cast %add3A_115 : i32 to index
          %get3A_184 = arith.index_cast %add3A_182 : i32 to index
          %get3A_185 = tpu.vector_load %arg7[%get3A, %get3A_183, %get3A_184] {strides = array<i32>} : memref<2x32x64xi32, #tpu.memory_space<vmem>>, vector<16xi32>,
          %swap3A = arith.index_cast %add3A_182 : i32 to index
          %swap3A_186 = tpu.vector_load %arg10[%swap3A] {strides = array<i32>} : memref<64xi32, #tpu.memory_space<vmem>>, vector<16xi32>,
          tpu.vector_store %arg10[%swap3A], %get3A_185 {strides = array<i32>} : memref<64xi32, #tpu.memory_space<vmem>>, vector<16xi32>,
        }
        %scan3A_126 = arith.constant 4 : i32
        %dma_start3A_127 = arith.constant 0 : i32
        %dma_start3A_128 = arith.constant 0 : i32
        %dma_start3A_129 = tpu.memref_slice %arg15[%dma_start3A_127, %dma_start3A_128] : memref<10240x64xbf16, #tpu.memory_space<vmem_shared>> -> memref<10240x64xbf16, #tpu.memory_space<vmem_shared>>
        tpu.enqueue_indirect_dma source(%arg12 : memref<64x64xbf16, #tpu.memory_space<vmem>>) target(%dma_start3A_129 : memref<10240x64xbf16, #tpu.memory_space<vmem_shared>>) offsets(%arg10 : memref<64xi32, #tpu.memory_space<vmem>>) semaphore(%arg18 : memref<!tpu.dma_semaphore, #tpu.memory_space<semaphore_mem>>) {add = true}
        %dma_wait3A_130 = arith.constant 0 : i32
        %dma_wait3A_131 = arith.constant 0 : i32
        %dma_wait3A_132 = tpu.memref_slice %arg14[%dma_wait3A_130, %dma_wait3A_131] : memref<10240x64xbf16, #tpu.memory_space<vmem_shared>> -> memref<64x64xbf16, #tpu.memory_space<vmem_shared>>
        %dma_wait3A_133 = arith.constant 0 : i32
        %dma_wait3A_134 = arith.constant 0 : i32
        %dma_wait3A_135 = tpu.memref_slice %arg14[%dma_wait3A_133, %dma_wait3A_134] : memref<10240x64xbf16, #tpu.memory_space<vmem_shared>> -> memref<64x64xbf16, #tpu.memory_space<vmem_shared>>
        tpu.wait_dma2 semaphore(%arg17 : memref<!tpu.dma_semaphore, #tpu.memory_space<semaphore_mem>>) src(%dma_wait3A_135 : memref<64x64xbf16, #tpu.memory_space<vmem_shared>>) dst(%arg13 : memref<64x64xbf16, #tpu.memory_space<vmem>>)
        %add3A_136 = arith.constant 1 : i32
        %add3A_137 = arith.addi %add3A_115, %add3A_136 : i32
        %scan3A_138 = arith.constant 0 : i32
        %scan3A_139 = arith.constant 4 : i32
        %scan3A_140 = arith.addi %scan3A_138, %scan3A_139 : i32
        %scan3A_141 = arith.constant 1 : i32
        scf.for %scan3A_178 = %scan3A_138 to %scan3A_140 step %scan3A_141  : i32 {
          %mul3A_179 = arith.constant 16 : i32
          %mul3A_180 = arith.muli %scan3A_178, %mul3A_179 : i32
          %add3A_181 = arith.constant 0 : i32
          %add3A_182 = arith.addi %add3A_181, %mul3A_180 : i32
          %get3A = arith.index_cast %select_n3A_40 : i32 to index
          %get3A_183 = arith.index_cast %add3A_137 : i32 to index
          %get3A_184 = arith.index_cast %add3A_182 : i32 to index
          %get3A_185 = tpu.vector_load %arg7[%get3A, %get3A_183, %get3A_184] {strides = array<i32>} : memref<2x32x64xi32, #tpu.memory_space<vmem>>, vector<16xi32>,
          %swap3A = arith.index_cast %add3A_182 : i32 to index
          %swap3A_186 = tpu.vector_load %arg11[%swap3A] {strides = array<i32>} : memref<64xi32, #tpu.memory_space<vmem>>, vector<16xi32>,
          tpu.vector_store %arg11[%swap3A], %get3A_185 {strides = array<i32>} : memref<64xi32, #tpu.memory_space<vmem>>, vector<16xi32>,
        }
        %scan3A_142 = arith.constant 4 : i32
        %dma_start3A_143 = arith.constant 0 : i32
        %dma_start3A_144 = arith.constant 0 : i32
        %dma_start3A_145 = tpu.memref_slice %arg15[%dma_start3A_143, %dma_start3A_144] : memref<10240x64xbf16, #tpu.memory_space<vmem_shared>> -> memref<10240x64xbf16, #tpu.memory_space<vmem_shared>>
        tpu.enqueue_indirect_dma source(%arg13 : memref<64x64xbf16, #tpu.memory_space<vmem>>) target(%dma_start3A_145 : memref<10240x64xbf16, #tpu.memory_space<vmem_shared>>) offsets(%arg11 : memref<64xi32, #tpu.memory_space<vmem>>) semaphore(%arg19 : memref<!tpu.dma_semaphore, #tpu.memory_space<semaphore_mem>>) {add = true}
        %dma_wait3A_146 = arith.constant 0 : i32
        %dma_wait3A_147 = arith.constant 0 : i32
        %dma_wait3A_148 = tpu.memref_slice %arg15[%dma_wait3A_146, %dma_wait3A_147] : memref<10240x64xbf16, #tpu.memory_space<vmem_shared>> -> memref<64x64xbf16, #tpu.memory_space<vmem_shared>>
        %dma_wait3A_149 = arith.constant 0 : i32
        %dma_wait3A_150 = arith.constant 0 : i32
        %dma_wait3A_151 = tpu.memref_slice %arg15[%dma_wait3A_149, %dma_wait3A_150] : memref<10240x64xbf16, #tpu.memory_space<vmem_shared>> -> memref<64x64xbf16, #tpu.memory_space<vmem_shared>>
        tpu.wait_dma2 semaphore(%arg18 : memref<!tpu.dma_semaphore, #tpu.memory_space<semaphore_mem>>) src(%arg12 : memref<64x64xbf16, #tpu.memory_space<vmem>>) dst(%dma_wait3A_151 : memref<64x64xbf16, #tpu.memory_space<vmem_shared>>)
        %add3A_152 = arith.constant 2 : i32
        %add3A_153 = arith.addi %add3A_115, %add3A_152 : i32
        %scan3A_154 = arith.constant 0 : i32
        %scan3A_155 = arith.constant 4 : i32
        %scan3A_156 = arith.addi %scan3A_154, %scan3A_155 : i32
        %scan3A_157 = arith.constant 1 : i32
        scf.for %scan3A_178 = %scan3A_154 to %scan3A_156 step %scan3A_157  : i32 {
          %mul3A_179 = arith.constant 16 : i32
          %mul3A_180 = arith.muli %scan3A_178, %mul3A_179 : i32
          %add3A_181 = arith.constant 0 : i32
          %add3A_182 = arith.addi %add3A_181, %mul3A_180 : i32
          %get3A = arith.index_cast %select_n3A_40 : i32 to index
          %get3A_183 = arith.index_cast %add3A_153 : i32 to index
          %get3A_184 = arith.index_cast %add3A_182 : i32 to index
          %get3A_185 = tpu.vector_load %arg6[%get3A, %get3A_183, %get3A_184] {strides = array<i32>} : memref<2x32x64xi32, #tpu.memory_space<vmem>>, vector<16xi32>,
          %swap3A = arith.index_cast %add3A_182 : i32 to index
          %swap3A_186 = tpu.vector_load %arg8[%swap3A] {strides = array<i32>} : memref<64xi32, #tpu.memory_space<vmem>>, vector<16xi32>,
          tpu.vector_store %arg8[%swap3A], %get3A_185 {strides = array<i32>} : memref<64xi32, #tpu.memory_space<vmem>>, vector<16xi32>,
        }
        %scan3A_158 = arith.constant 4 : i32
        %dma_start3A_159 = arith.constant 0 : i32
        %dma_start3A_160 = arith.constant 0 : i32
        %dma_start3A_161 = tpu.memref_slice %arg14[%dma_start3A_159, %dma_start3A_160] : memref<10240x64xbf16, #tpu.memory_space<vmem_shared>> -> memref<10240x64xbf16, #tpu.memory_space<vmem_shared>>
        tpu.enqueue_indirect_dma source(%dma_start3A_161 : memref<10240x64xbf16, #tpu.memory_space<vmem_shared>>) target(%arg12 : memref<64x64xbf16, #tpu.memory_space<vmem>>) offsets(%arg8 : memref<64xi32, #tpu.memory_space<vmem>>) semaphore(%arg16 : memref<!tpu.dma_semaphore, #tpu.memory_space<semaphore_mem>>)
        %dma_wait3A_162 = arith.constant 0 : i32
        %dma_wait3A_163 = arith.constant 0 : i32
        %dma_wait3A_164 = tpu.memref_slice %arg15[%dma_wait3A_162, %dma_wait3A_163] : memref<10240x64xbf16, #tpu.memory_space<vmem_shared>> -> memref<64x64xbf16, #tpu.memory_space<vmem_shared>>
        %dma_wait3A_165 = arith.constant 0 : i32
        %dma_wait3A_166 = arith.constant 0 : i32
        %dma_wait3A_167 = tpu.memref_slice %arg15[%dma_wait3A_165, %dma_wait3A_166] : memref<10240x64xbf16, #tpu.memory_space<vmem_shared>> -> memref<64x64xbf16, #tpu.memory_space<vmem_shared>>
        tpu.wait_dma2 semaphore(%arg19 : memref<!tpu.dma_semaphore, #tpu.memory_space<semaphore_mem>>) src(%arg13 : memref<64x64xbf16, #tpu.memory_space<vmem>>) dst(%dma_wait3A_167 : memref<64x64xbf16, #tpu.memory_space<vmem_shared>>)
        %add3A_168 = arith.constant 3 : i32
        %add3A_169 = arith.addi %add3A_115, %add3A_168 : i32
        %scan3A_170 = arith.constant 0 : i32
        %scan3A_171 = arith.constant 4 : i32
        %scan3A_172 = arith.addi %scan3A_170, %scan3A_171 : i32
        %scan3A_173 = arith.constant 1 : i32
        scf.for %scan3A_178 = %scan3A_170 to %scan3A_172 step %scan3A_173  : i32 {
          %mul3A_179 = arith.constant 16 : i32
          %mul3A_180 = arith.muli %scan3A_178, %mul3A_179 : i32
          %add3A_181 = arith.constant 0 : i32
          %add3A_182 = arith.addi %add3A_181, %mul3A_180 : i32
          %get3A = arith.index_cast %select_n3A_40 : i32 to index
          %get3A_183 = arith.index_cast %add3A_169 : i32 to index
          %get3A_184 = arith.index_cast %add3A_182 : i32 to index
          %get3A_185 = tpu.vector_load %arg6[%get3A, %get3A_183, %get3A_184] {strides = array<i32>} : memref<2x32x64xi32, #tpu.memory_space<vmem>>, vector<16xi32>,
          %swap3A = arith.index_cast %add3A_182 : i32 to index
          %swap3A_186 = tpu.vector_load %arg9[%swap3A] {strides = array<i32>} : memref<64xi32, #tpu.memory_space<vmem>>, vector<16xi32>,
          tpu.vector_store %arg9[%swap3A], %get3A_185 {strides = array<i32>} : memref<64xi32, #tpu.memory_space<vmem>>, vector<16xi32>,
        }
        %scan3A_174 = arith.constant 4 : i32
        %dma_start3A_175 = arith.constant 0 : i32
        %dma_start3A_176 = arith.constant 0 : i32
        %dma_start3A_177 = tpu.memref_slice %arg14[%dma_start3A_175, %dma_start3A_176] : memref<10240x64xbf16, #tpu.memory_space<vmem_shared>> -> memref<10240x64xbf16, #tpu.memory_space<vmem_shared>>
        tpu.enqueue_indirect_dma source(%dma_start3A_177 : memref<10240x64xbf16, #tpu.memory_space<vmem_shared>>) target(%arg13 : memref<64x64xbf16, #tpu.memory_space<vmem>>) offsets(%arg9 : memref<64xi32, #tpu.memory_space<vmem>>) semaphore(%arg17 : memref<!tpu.dma_semaphore, #tpu.memory_space<semaphore_mem>>)
      }
      %scan3A_71 = arith.constant 15 : i32
      %dma_wait3A = arith.constant 0 : i32
      %dma_wait3A_72 = arith.constant 0 : i32
      %dma_wait3A_73 = tpu.memref_slice %arg14[%dma_wait3A, %dma_wait3A_72] : memref<10240x64xbf16, #tpu.memory_space<vmem_shared>> -> memref<64x64xbf16, #tpu.memory_space<vmem_shared>>
      %dma_wait3A_74 = arith.constant 0 : i32
      %dma_wait3A_75 = arith.constant 0 : i32
      %dma_wait3A_76 = tpu.memref_slice %arg14[%dma_wait3A_74, %dma_wait3A_75] : memref<10240x64xbf16, #tpu.memory_space<vmem_shared>> -> memref<64x64xbf16, #tpu.memory_space<vmem_shared>>
      tpu.wait_dma2 semaphore(%arg16 : memref<!tpu.dma_semaphore, #tpu.memory_space<semaphore_mem>>) src(%dma_wait3A_76 : memref<64x64xbf16, #tpu.memory_space<vmem_shared>>) dst(%arg12 : memref<64x64xbf16, #tpu.memory_space<vmem>>)
      %scan3A_77 = arith.constant 0 : i32
      %scan3A_78 = arith.constant 4 : i32
      %scan3A_79 = arith.addi %scan3A_77, %scan3A_78 : i32
      %scan3A_80 = arith.constant 1 : i32
      scf.for %scan3A_111 = %scan3A_77 to %scan3A_79 step %scan3A_80  : i32 {
        %mul3A_112 = arith.constant 16 : i32
        %mul3A_113 = arith.muli %scan3A_111, %mul3A_112 : i32
        %add3A_114 = arith.constant 0 : i32
        %add3A_115 = arith.addi %add3A_114, %mul3A_113 : i32
        %get3A = arith.constant 30 : i32
        %get3A_116 = arith.index_cast %select_n3A_40 : i32 to index
        %get3A_117 = arith.index_cast %get3A : i32 to index
        %get3A_118 = arith.index_cast %add3A_115 : i32 to index
        %get3A_119 = tpu.vector_load %arg7[%get3A_116, %get3A_117, %get3A_118] {strides = array<i32>} : memref<2x32x64xi32, #tpu.memory_space<vmem>>, vector<16xi32>,
        %swap3A = arith.index_cast %add3A_115 : i32 to index
        %swap3A_120 = tpu.vector_load %arg10[%swap3A] {strides = array<i32>} : memref<64xi32, #tpu.memory_space<vmem>>, vector<16xi32>,
        tpu.vector_store %arg10[%swap3A], %get3A_119 {strides = array<i32>} : memref<64xi32, #tpu.memory_space<vmem>>, vector<16xi32>,
      }
      %scan3A_81 = arith.constant 4 : i32
      %dma_start3A_82 = arith.constant 0 : i32
      %dma_start3A_83 = arith.constant 0 : i32
      %dma_start3A_84 = tpu.memref_slice %arg15[%dma_start3A_82, %dma_start3A_83] : memref<10240x64xbf16, #tpu.memory_space<vmem_shared>> -> memref<10240x64xbf16, #tpu.memory_space<vmem_shared>>
      tpu.enqueue_indirect_dma source(%arg12 : memref<64x64xbf16, #tpu.memory_space<vmem>>) target(%dma_start3A_84 : memref<10240x64xbf16, #tpu.memory_space<vmem_shared>>) offsets(%arg10 : memref<64xi32, #tpu.memory_space<vmem>>) semaphore(%arg18 : memref<!tpu.dma_semaphore, #tpu.memory_space<semaphore_mem>>) {add = true}
      %dma_wait3A_85 = arith.constant 0 : i32
      %dma_wait3A_86 = arith.constant 0 : i32
      %dma_wait3A_87 = tpu.memref_slice %arg14[%dma_wait3A_85, %dma_wait3A_86] : memref<10240x64xbf16, #tpu.memory_space<vmem_shared>> -> memref<64x64xbf16, #tpu.memory_space<vmem_shared>>
      %dma_wait3A_88 = arith.constant 0 : i32
      %dma_wait3A_89 = arith.constant 0 : i32
      %dma_wait3A_90 = tpu.memref_slice %arg14[%dma_wait3A_88, %dma_wait3A_89] : memref<10240x64xbf16, #tpu.memory_space<vmem_shared>> -> memref<64x64xbf16, #tpu.memory_space<vmem_shared>>
      tpu.wait_dma2 semaphore(%arg17 : memref<!tpu.dma_semaphore, #tpu.memory_space<semaphore_mem>>) src(%dma_wait3A_90 : memref<64x64xbf16, #tpu.memory_space<vmem_shared>>) dst(%arg13 : memref<64x64xbf16, #tpu.memory_space<vmem>>)
      %scan3A_91 = arith.constant 0 : i32
      %scan3A_92 = arith.constant 4 : i32
      %scan3A_93 = arith.addi %scan3A_91, %scan3A_92 : i32
      %scan3A_94 = arith.constant 1 : i32
      scf.for %scan3A_111 = %scan3A_91 to %scan3A_93 step %scan3A_94  : i32 {
        %mul3A_112 = arith.constant 16 : i32
        %mul3A_113 = arith.muli %scan3A_111, %mul3A_112 : i32
        %add3A_114 = arith.constant 0 : i32
        %add3A_115 = arith.addi %add3A_114, %mul3A_113 : i32
        %get3A = arith.constant 31 : i32
        %get3A_116 = arith.index_cast %select_n3A_40 : i32 to index
        %get3A_117 = arith.index_cast %get3A : i32 to index
        %get3A_118 = arith.index_cast %add3A_115 : i32 to index
        %get3A_119 = tpu.vector_load %arg7[%get3A_116, %get3A_117, %get3A_118] {strides = array<i32>} : memref<2x32x64xi32, #tpu.memory_space<vmem>>, vector<16xi32>,
        %swap3A = arith.index_cast %add3A_115 : i32 to index
        %swap3A_120 = tpu.vector_load %arg11[%swap3A] {strides = array<i32>} : memref<64xi32, #tpu.memory_space<vmem>>, vector<16xi32>,
        tpu.vector_store %arg11[%swap3A], %get3A_119 {strides = array<i32>} : memref<64xi32, #tpu.memory_space<vmem>>, vector<16xi32>,
      }
      %scan3A_95 = arith.constant 4 : i32
      %dma_start3A_96 = arith.constant 0 : i32
      %dma_start3A_97 = arith.constant 0 : i32
      %dma_start3A_98 = tpu.memref_slice %arg15[%dma_start3A_96, %dma_start3A_97] : memref<10240x64xbf16, #tpu.memory_space<vmem_shared>> -> memref<10240x64xbf16, #tpu.memory_space<vmem_shared>>
      tpu.enqueue_indirect_dma source(%arg13 : memref<64x64xbf16, #tpu.memory_space<vmem>>) target(%dma_start3A_98 : memref<10240x64xbf16, #tpu.memory_space<vmem_shared>>) offsets(%arg11 : memref<64xi32, #tpu.memory_space<vmem>>) semaphore(%arg19 : memref<!tpu.dma_semaphore, #tpu.memory_space<semaphore_mem>>) {add = true}
      %dma_wait3A_99 = arith.constant 0 : i32
      %dma_wait3A_100 = arith.constant 0 : i32
      %dma_wait3A_101 = tpu.memref_slice %arg15[%dma_wait3A_99, %dma_wait3A_100] : memref<10240x64xbf16, #tpu.memory_space<vmem_shared>> -> memref<64x64xbf16, #tpu.memory_space<vmem_shared>>
      %dma_wait3A_102 = arith.constant 0 : i32
      %dma_wait3A_103 = arith.constant 0 : i32
      %dma_wait3A_104 = tpu.memref_slice %arg15[%dma_wait3A_102, %dma_wait3A_103] : memref<10240x64xbf16, #tpu.memory_space<vmem_shared>> -> memref<64x64xbf16, #tpu.memory_space<vmem_shared>>
      tpu.wait_dma2 semaphore(%arg18 : memref<!tpu.dma_semaphore, #tpu.memory_space<semaphore_mem>>) src(%arg12 : memref<64x64xbf16, #tpu.memory_space<vmem>>) dst(%dma_wait3A_104 : memref<64x64xbf16, #tpu.memory_space<vmem_shared>>)
      %dma_wait3A_105 = arith.constant 0 : i32
      %dma_wait3A_106 = arith.constant 0 : i32
      %dma_wait3A_107 = tpu.memref_slice %arg15[%dma_wait3A_105, %dma_wait3A_106] : memref<10240x64xbf16, #tpu.memory_space<vmem_shared>> -> memref<64x64xbf16, #tpu.memory_space<vmem_shared>>
      %dma_wait3A_108 = arith.constant 0 : i32
      %dma_wait3A_109 = arith.constant 0 : i32
      %dma_wait3A_110 = tpu.memref_slice %arg15[%dma_wait3A_108, %dma_wait3A_109] : memref<10240x64xbf16, #tpu.memory_space<vmem_shared>> -> memref<64x64xbf16, #tpu.memory_space<vmem_shared>>
      tpu.wait_dma2 semaphore(%arg19 : memref<!tpu.dma_semaphore, #tpu.memory_space<semaphore_mem>>) src(%arg13 : memref<64x64xbf16, #tpu.memory_space<vmem>>) dst(%dma_wait3A_110 : memref<64x64xbf16, #tpu.memory_space<vmem_shared>>)
    }
    %scan3A_20 = arith.constant 10 : i32
    %barrier3A_21 = arith.constant 0 : index
    tpu.barrier barrier_id(%barrier3A_21)
    %scan3A_22 = arith.constant 0 : i32
    %scan3A_23 = arith.constant 10 : i32
    %scan3A_24 = arith.addi %scan3A_22, %scan3A_23 : i32
    %scan3A_25 = arith.constant 1 : i32
    scf.for %scan3A_27 = %scan3A_22 to %scan3A_24 step %scan3A_25  : i32 {
      %mul3A = arith.constant 64 : i32
      %mul3A_28 = arith.muli %scan3A_27, %mul3A : i32
      %add3A = arith.constant 0 : i32
      %add3A_29 = arith.addi %add3A, %mul3A_28 : i32
      %mul3A_30 = arith.constant 640 : i32
      %mul3A_31 = arith.muli %arg1, %mul3A_30 : i32
      %add3A_32 = arith.addi %mul3A_31, %add3A_29 : i32
      %mul3A_33 = arith.constant 640 : i32
      %mul3A_34 = arith.muli %arg1, %mul3A_33 : i32
      %add3A_35 = arith.addi %mul3A_34, %add3A_29 : i32
      "tpu.region"() ({
        %run_scoped3A_36 = tpu.sem_alloc : memref<!tpu.dma_semaphore, #tpu.memory_space<semaphore_mem>>
        %dma_start3A = arith.constant 0 : i32
        %dma_start3A_37 = tpu.memref_slice %arg5[%arg0, %add3A_35, %dma_start3A] : memref<2x10240x64xbf16, #tpu.memory_space<hbm>> -> memref<1x64x64xbf16, #tpu.memory_space<hbm>>
        %dma_start3A_38 = tpu.memref_squeeze %dma_start3A_37 : memref<1x64x64xbf16, #tpu.memory_space<hbm>> -> memref<64x64xbf16, #tpu.memory_space<hbm>>
        %dma_start3A_39 = arith.constant 0 : i32
        %dma_start3A_40 = tpu.memref_slice %arg15[%add3A_32, %dma_start3A_39] : memref<10240x64xbf16, #tpu.memory_space<vmem_shared>> -> memref<64x64xbf16, #tpu.memory_space<vmem_shared>>
        tpu.enqueue_dma source(%dma_start3A_40 : memref<64x64xbf16, #tpu.memory_space<vmem_shared>>) target(%dma_start3A_38 : memref<64x64xbf16, #tpu.memory_space<hbm>>) target_semaphore(%run_scoped3A_36 : memref<!tpu.dma_semaphore, #tpu.memory_space<semaphore_mem>>)
        %dma_wait3A = arith.constant 0 : i32
        %dma_wait3A_41 = tpu.memref_slice %arg5[%arg0, %add3A_35, %dma_wait3A] : memref<2x10240x64xbf16, #tpu.memory_space<hbm>> -> memref<1x64x64xbf16, #tpu.memory_space<hbm>>
        %dma_wait3A_42 = tpu.memref_squeeze %dma_wait3A_41 : memref<1x64x64xbf16, #tpu.memory_space<hbm>> -> memref<64x64xbf16, #tpu.memory_space<hbm>>
        %dma_wait3A_43 = arith.constant 0 : i32
        %dma_wait3A_44 = tpu.memref_slice %arg15[%add3A_32, %dma_wait3A_43] : memref<10240x64xbf16, #tpu.memory_space<vmem_shared>> -> memref<64x64xbf16, #tpu.memory_space<vmem_shared>>
        tpu.wait_dma2 semaphore(%run_scoped3A_36 : memref<!tpu.dma_semaphore, #tpu.memory_space<semaphore_mem>>) src(%dma_wait3A_44 : memref<64x64xbf16, #tpu.memory_space<vmem_shared>>) dst(%dma_wait3A_42 : memref<64x64xbf16, #tpu.memory_space<hbm>>)
        tpu.yield
      }) : () -> ()
    }
    %scan3A_26 = arith.constant 10 : i32
    return
  }
}

module attributes {stable_mosaic.version = 14 : i64} {
  func.func @_tc_prep_body(%arg0: i32, %arg1: memref<1024x128xf32, #tpu.memory_space<vmem>>, %arg2: memref<1024x128xf32, #tpu.memory_space<vmem>>, %arg3: memref<128x128xf32, #tpu.memory_space<vmem>>, %arg4: memref<32x1024xf32, #tpu.memory_space<vmem>>, %arg5: memref<2x1024x64xbf16, #tpu.memory_space<vmem>>, %arg6: memref<1024x128xf32, #tpu.memory_space<vmem>>) attributes {dimension_semantics = [#tpu.dimension_semantics<arbitrary>], iteration_bounds = array<i64: 10>, scalar_prefetch = 0 : i64, scratch_operands = 0 : i64, tpu.core_type = #tpu.core_type<tc>, window_params = [{transform_indices = @transform_0, window_bounds = array<i64: 1024, 128>}, {transform_indices = @transform_1, window_bounds = array<i64: 1024, 128>}, {pipeline_mode = #tpu.pipeline_mode<synchronous>, transform_indices = @transform_2, window_bounds = array<i64: 128, 128>}, {transform_indices = @transform_3, window_bounds = array<i64: 32, 1024>}, {transform_indices = @transform_4, window_bounds = array<i64: 2, 1024, 64>}, {transform_indices = @transform_5, window_bounds = array<i64: 1024, 128>}]} {
    %get3A = arith.constant 0 : index
    %get3A_0 = arith.constant 0 : index
    %get3A_1 = vector.load %arg4[%get3A, %get3A_0] : memref<32x1024xf32, #tpu.memory_space<vmem>>, vector<32x1024xf32>
    %reduce_sum3A = arith.constant dense<0.000000e+00> : vector<1024xf32>
    %reduce_sum3A_2 = vector.multi_reduction <add>, %get3A_1, %reduce_sum3A [0] : vector<32x1024xf32> to vector<1024xf32>
    %max3A = arith.constant 1.000000e+00 : f32
    %max3A_3 = vector.broadcast %max3A : f32 to vector<1024xf32>
    %max3A_4 = arith.maximumf %reduce_sum3A_2, %max3A_3 : vector<1024xf32>
    %rsqrt3A = math.rsqrt %max3A_4 : vector<1024xf32>
    %broadcast_in_dim3A = vector.shape_cast %rsqrt3A : vector<1024xf32> to vector<1024x1xf32>
    %get3A_5 = arith.constant 0 : index
    %get3A_6 = arith.constant 0 : index
    %get3A_7 = vector.load %arg1[%get3A_5, %get3A_6] : memref<1024x128xf32, #tpu.memory_space<vmem>>, vector<1024x128xf32>
    %get3A_8 = arith.constant 0 : index
    %get3A_9 = arith.constant 0 : index
    %get3A_10 = vector.load %arg3[%get3A_8, %get3A_9] : memref<128x128xf32, #tpu.memory_space<vmem>>, vector<128x128xf32>
    %dot_general3A = arith.constant dense<0.000000e+00> : vector<1024x128xf32>
    %dot_general3A_11 = tpu.matmul %get3A_7, %get3A_10, %dot_general3A {dimension_numbers = #tpu.dot_dimension_numbers<[1], [0], [0], [1], [0, 0, 1, 1], [], []>, precision = #tpu.contract_precision<fp32>, transpose_lhs_hint = false} : vector<1024x128xf32>, vector<128x128xf32>, vector<1024x128xf32> -> vector<1024x128xf32>
    %mul3A = vector.broadcast %broadcast_in_dim3A : vector<1024x1xf32> to vector<1024x128xf32>
    %mul3A_12 = arith.mulf %dot_general3A_11, %mul3A : vector<1024x128xf32>
    %slice3A = vector.extract_strided_slice %mul3A_12 {offsets = [0, 0], sizes = [1024, 64], strides = [1, 1]} : vector<1024x128xf32> to vector<1024x64xf32>
    %convert_element_type3A = arith.truncf %slice3A : vector<1024x64xf32> to vector<1024x64xbf16>
    %swap3A = arith.constant 0 : index
    %swap3A_13 = arith.constant 0 : index
    %swap3A_14 = arith.constant 0 : index
    %swap3A_15 = vector.load %arg5[%swap3A, %swap3A_13, %swap3A_14] : memref<2x1024x64xbf16, #tpu.memory_space<vmem>>, vector<1x1024x64xbf16>
    %swap3A_16 = vector.shape_cast %swap3A_15 : vector<1x1024x64xbf16> to vector<1024x64xbf16>
    %swap3A_17 = vector.shape_cast %convert_element_type3A : vector<1024x64xbf16> to vector<1x1024x64xbf16>
    tpu.vector_store %arg5[%swap3A, %swap3A_13, %swap3A_14], %swap3A_17 {strides = array<i32>} : memref<2x1024x64xbf16, #tpu.memory_space<vmem>>, vector<1x1024x64xbf16>,
    %slice3A_18 = vector.extract_strided_slice %mul3A_12 {offsets = [0, 64], sizes = [1024, 64], strides = [1, 1]} : vector<1024x128xf32> to vector<1024x64xf32>
    %convert_element_type3A_19 = arith.truncf %slice3A_18 : vector<1024x64xf32> to vector<1024x64xbf16>
    %swap3A_20 = arith.constant 1 : index
    %swap3A_21 = arith.constant 0 : index
    %swap3A_22 = arith.constant 0 : index
    %swap3A_23 = vector.load %arg5[%swap3A_20, %swap3A_21, %swap3A_22] : memref<2x1024x64xbf16, #tpu.memory_space<vmem>>, vector<1x1024x64xbf16>
    %swap3A_24 = vector.shape_cast %swap3A_23 : vector<1x1024x64xbf16> to vector<1024x64xbf16>
    %swap3A_25 = vector.shape_cast %convert_element_type3A_19 : vector<1024x64xbf16> to vector<1x1024x64xbf16>
    tpu.vector_store %arg5[%swap3A_20, %swap3A_21, %swap3A_22], %swap3A_25 {strides = array<i32>} : memref<2x1024x64xbf16, #tpu.memory_space<vmem>>, vector<1x1024x64xbf16>,
    %mul3A_26 = arith.constant 0.899999976 : f32
    %mul3A_27 = vector.broadcast %mul3A_26 : f32 to vector<1024x128xf32>
    %mul3A_28 = arith.mulf %mul3A_27, %get3A_7 : vector<1024x128xf32>
    %broadcast_in_dim3A_29 = vector.shape_cast %max3A_4 : vector<1024xf32> to vector<1024x1xf32>
    %div3A = arith.constant 1.000000e-01 : f32
    %div3A_30 = vector.broadcast %div3A : f32 to vector<1024x1xf32>
    %div3A_31 = arith.divf %div3A_30, %broadcast_in_dim3A_29 : vector<1024x1xf32>
    %get3A_32 = arith.constant 0 : index
    %get3A_33 = arith.constant 0 : index
    %get3A_34 = vector.load %arg2[%get3A_32, %get3A_33] : memref<1024x128xf32, #tpu.memory_space<vmem>>, vector<1024x128xf32>
    %mul3A_35 = vector.broadcast %div3A_31 : vector<1024x1xf32> to vector<1024x128xf32>
    %mul3A_36 = arith.mulf %mul3A_35, %get3A_34 : vector<1024x128xf32>
    %add3A = arith.addf %mul3A_28, %mul3A_36 : vector<1024x128xf32>
    %swap3A_37 = arith.constant 0 : index
    %swap3A_38 = arith.constant 0 : index
    %swap3A_39 = vector.load %arg6[%swap3A_37, %swap3A_38] : memref<1024x128xf32, #tpu.memory_space<vmem>>, vector<1024x128xf32>
    tpu.vector_store %arg6[%swap3A_37, %swap3A_38], %add3A {strides = array<i32>} : memref<1024x128xf32, #tpu.memory_space<vmem>>, vector<1024x128xf32>,
    return
  }
  func.func @transform_0(%arg0: i32) -> (i32, i32) {
    %c0_i32 = arith.constant 0 : i32
    %c0_i32_0 = arith.constant 0 : i32
    return %arg0, %c0_i32 : i32, i32
  }
  func.func @transform_1(%arg0: i32) -> (i32, i32) {
    %c0_i32 = arith.constant 0 : i32
    %c0_i32_0 = arith.constant 0 : i32
    return %arg0, %c0_i32 : i32, i32
  }
  func.func @transform_2(%arg0: i32) -> (i32, i32) {
    %c0_i32 = arith.constant 0 : i32
    %c0_i32_0 = arith.constant 0 : i32
    %c0_i32_1 = arith.constant 0 : i32
    return %c0_i32, %c0_i32_0 : i32, i32
  }
  func.func @transform_3(%arg0: i32) -> (i32, i32) {
    %c0_i32 = arith.constant 0 : i32
    %c0_i32_0 = arith.constant 0 : i32
    return %c0_i32, %arg0 : i32, i32
  }
  func.func @transform_4(%arg0: i32) -> (i32, i32, i32) {
    %c0_i32 = arith.constant 0 : i32
    %c0_i32_0 = arith.constant 0 : i32
    %c0_i32_1 = arith.constant 0 : i32
    return %c0_i32, %arg0, %c0_i32_0 : i32, i32, i32
  }
  func.func @transform_5(%arg0: i32) -> (i32, i32) {
    %c0_i32 = arith.constant 0 : i32
    %c0_i32_0 = arith.constant 0 : i32
    return %arg0, %c0_i32 : i32, i32
  }
}

module attributes {stable_mosaic.version = 14 : i64} {
  func.func @_tc_final_body(%arg0: i32, %arg1: memref<2x1024x64xbf16, #tpu.memory_space<vmem>>, %arg2: memref<1024x128xf32, #tpu.memory_space<vmem>>, %arg3: memref<32x1024xf32, #tpu.memory_space<vmem>>, %arg4: memref<1024x128xf32, #tpu.memory_space<vmem>>) attributes {dimension_semantics = [#tpu.dimension_semantics<arbitrary>], iteration_bounds = array<i64: 10>, scalar_prefetch = 0 : i64, scratch_operands = 0 : i64, tpu.core_type = #tpu.core_type<tc>, window_params = [{transform_indices = @transform_0, window_bounds = array<i64: 2, 1024, 64>}, {transform_indices = @transform_1, window_bounds = array<i64: 1024, 128>}, {transform_indices = @transform_2, window_bounds = array<i64: 32, 1024>}, {transform_indices = @transform_3, window_bounds = array<i64: 1024, 128>}]} {
    %get3A = arith.constant 0 : index
    %get3A_0 = arith.constant 0 : index
    %get3A_1 = vector.load %arg3[%get3A, %get3A_0] : memref<32x1024xf32, #tpu.memory_space<vmem>>, vector<32x1024xf32>
    %reduce_sum3A = arith.constant dense<0.000000e+00> : vector<1024xf32>
    %reduce_sum3A_2 = vector.multi_reduction <add>, %get3A_1, %reduce_sum3A [0] : vector<32x1024xf32> to vector<1024xf32>
    %max3A = arith.constant 1.000000e+00 : f32
    %max3A_3 = vector.broadcast %max3A : f32 to vector<1024xf32>
    %max3A_4 = arith.maximumf %reduce_sum3A_2, %max3A_3 : vector<1024xf32>
    %rsqrt3A = math.rsqrt %max3A_4 : vector<1024xf32>
    %broadcast_in_dim3A = vector.shape_cast %rsqrt3A : vector<1024xf32> to vector<1024x1xf32>
    %get3A_5 = arith.constant 0 : index
    %get3A_6 = arith.constant 0 : index
    %get3A_7 = arith.constant 0 : index
    %get3A_8 = vector.load %arg1[%get3A_5, %get3A_6, %get3A_7] : memref<2x1024x64xbf16, #tpu.memory_space<vmem>>, vector<1x1024x64xbf16>
    %get3A_9 = vector.shape_cast %get3A_8 : vector<1x1024x64xbf16> to vector<1024x64xbf16>
    %get3A_10 = arith.constant 1 : index
    %get3A_11 = arith.constant 0 : index
    %get3A_12 = arith.constant 0 : index
    %get3A_13 = vector.load %arg1[%get3A_10, %get3A_11, %get3A_12] : memref<2x1024x64xbf16, #tpu.memory_space<vmem>>, vector<1x1024x64xbf16>
    %get3A_14 = vector.shape_cast %get3A_13 : vector<1x1024x64xbf16> to vector<1024x64xbf16>
    %concatenate3A = tpu.concatenate %get3A_9, %get3A_14 in 1 : vector<1024x64xbf16>, vector<1024x64xbf16> -> vector<1024x128xbf16>
    %convert_element_type3A = arith.extf %concatenate3A : vector<1024x128xbf16> to vector<1024x128xf32>
    %get3A_15 = arith.constant 0 : index
    %get3A_16 = arith.constant 0 : index
    %get3A_17 = vector.load %arg2[%get3A_15, %get3A_16] : memref<1024x128xf32, #tpu.memory_space<vmem>>, vector<1024x128xf32>
    %mul3A = arith.constant 1.000000e-01 : f32
    %mul3A_18 = vector.broadcast %mul3A : f32 to vector<1024x128xf32>
    %mul3A_19 = arith.mulf %mul3A_18, %convert_element_type3A : vector<1024x128xf32>
    %mul3A_20 = vector.broadcast %broadcast_in_dim3A : vector<1024x1xf32> to vector<1024x128xf32>
    %mul3A_21 = arith.mulf %mul3A_19, %mul3A_20 : vector<1024x128xf32>
    %add3A = arith.addf %get3A_17, %mul3A_21 : vector<1024x128xf32>
    %swap3A = arith.constant 0 : index
    %swap3A_22 = arith.constant 0 : index
    %swap3A_23 = vector.load %arg4[%swap3A, %swap3A_22] : memref<1024x128xf32, #tpu.memory_space<vmem>>, vector<1024x128xf32>
    tpu.vector_store %arg4[%swap3A, %swap3A_22], %add3A {strides = array<i32>} : memref<1024x128xf32, #tpu.memory_space<vmem>>, vector<1024x128xf32>,
    return
  }
  func.func @transform_0(%arg0: i32) -> (i32, i32, i32) {
    %c0_i32 = arith.constant 0 : i32
    %c0_i32_0 = arith.constant 0 : i32
    %c0_i32_1 = arith.constant 0 : i32
    return %c0_i32, %arg0, %c0_i32_0 : i32, i32, i32
  }
  func.func @transform_1(%arg0: i32) -> (i32, i32) {
    %c0_i32 = arith.constant 0 : i32
    %c0_i32_0 = arith.constant 0 : i32
    return %arg0, %c0_i32 : i32, i32
  }
  func.func @transform_2(%arg0: i32) -> (i32, i32) {
    %c0_i32 = arith.constant 0 : i32
    %c0_i32_0 = arith.constant 0 : i32
    return %c0_i32, %arg0 : i32, i32
  }
  func.func @transform_3(%arg0: i32) -> (i32, i32) {
    %c0_i32 = arith.constant 0 : i32
    %c0_i32_0 = arith.constant 0 : i32
    return %arg0, %c0_i32 : i32, i32
  }
}

</mosaic_0001>

<sc_bundles>
// kernel: kernel.6.cloned.1.call-start
scs
__scs_entry_jumppad:
0x0: {  	(pc) =	sbr.rel $0x88, $3  }
0x1: {  	(tag) =	ssettag $0x0;
	lr =	simm.s32 $0x1  }
0x2: {  	[smem:$0x3F9D] =	sst lr;
	_ =	strace $0xD0000000  }
0x3: {  	_ = 	snop  }
0x4: {  	_ = 	snop  }
0x5: {  	_ = 	snop  }
0x6: {  	_ = 	snop  }
0x7: {  	_ = 	snop  }
__scs_overlays_trampoline_lowered:
0x8: {  	[smem:$0x3FAC] =	sst s0  }
0x9: {  	[smem:$0x3FAD] =	sst s1  }
0xa: {  	[smem:$0x3FAE] =	sst s2  }
0xb: {  	[smem:$0x3FAF] =	sst s3  }
0xc: {  	[smem:$0x3FB0] =	sst s4  }
0xd: {  	[smem:$0x3FB1] =	sst s5  }
0xe: {  	[smem:$0x3FB2] =	sst s6  }
0xf: {  	[smem:$0x3FB3] =	sst s7  }
0x10: {  	[smem:$0x3FB4] =	sst s8  }
0x11: {  	[smem:$0x3FB5] =	sst s9;
	s0 =	simm.s32 @!p0 $0x0  }
0x12: {  	s1 =	sld [smem:$0x3F9B];
	s0 =	simm.s32 @p0 $0x1  }
0x13: {  	[smem:$0x3FB6] =	sst s0;
	s0 =	simm.s32 @!p1 $0x0  }
0x14: {  	s2 =	sld [smem:$0x3F9A];
	s0 =	simm.s32 @p1 $0x1  }
0x15: {  	[smem:$0x3FB7] =	sst s0;
	s0 =	simm.s32 @!p2 $0x0  }
0x16: {  	s3 =	sld [smem:$0x3FDB];
	s0 =	simm.s32 @p2 $0x1  }
0x17: {  	s4 =	simm.s32 $0x1BF5;
	[smem:$0x3FB9] =	sst s0  }
0x18: {  	s0 =	sld [smem:$0x3F9C];
	_ =	swait.ge [sflag:s4], $0x0  }
0x19: {  	s7 =	sld [smem:$0x3F9D]  }
0x1a: {  	s8 =	sadd.s32 $0xFFFFE003, lr  }
0x1b: {  	s9 =	sadd.s32 $0xFFFFFEF7, lr;
	s5 =	simm.s32 $0xFFFFFFFF;
	p2 =	slt.u32 s8, $0xFFFFF086  }
0x1c: {  	p1 =	slt.u32 s9, $0xF7A;
	s5 =	simm.s32 @!p2 $0x0  }
0x1d: {  	s5 =	simm.s32 @p1 $0x1;
	p0 =	seq.s32 s7, s2  }
0x1e: {  	s7 =	smul.u32 @!p0 $0xF7A, s2;
	p2 =	seq.s32 @!p0 s5, $0x0  }
0x1f: {  	s9 =	smul.u32 $0xF7A, s1;
	s8 =	simm.s32 @!p0 $0x1BF5;
	p2 =	por !p2, p0  }
0x20: {  	[sflag:s8] =	ssyncset.s32 @!p0 $0xFFFFF086;
	s6 =	sadd.s32 @!p0 s3, s7;
	s7 =	simm.s32 @!p0 $0x108  }
0x21: {  	s3 =	sadd.s32 s3, s9;
	s6 =	sadd.s32 @!p0 $0x88, s6;
	s7 =	simm.s32 @p2 $0x1082  }
0x22: {  	[simem:s7], [sflag:s8] =	dma.local @!p0 [hbm:s6], $0xF7A  }
0x23: {  	s9 =	sor.u32 $0xD0000000, s2;
	s6 =	simm.s32 $0x108;
	_ =	swait.ge @!p0 [sflag:s8], $0x0  }
0x24: {  	s3 =	sadd.s32 $0x88, s3;
	s6 =	simm.s32 @!p1 $0x1082;
	[sflag:s4] =	ssyncset.s32 $0xFFFFF086  }
0x25: {  	[simem:s6], [sflag:s4] =	dma.local [hbm:s3], $0xF7A  }
0x26: {  	[smem:$0x3F9D] =	sst s1;
	(tag) =	ssettag s2;
	_ =	strace s9  }
0x27: {  	s1 =	sld [smem:$0x3FAD]  }
0x28: {  	s2 =	sld [smem:$0x3FAE]  }
0x29: {  	s4 =	sld [smem:$0x3FB0]  }
0x2a: {  	p0 =	seq.s32 s5, $0x0;
	s5 =	sld [smem:$0x3FB1]  }
0x2b: {  	s6 =	sld [smem:$0x3FB2]  }
0x2c: {  	s7 =	sld [smem:$0x3FB3]  }
0x2d: {  	s3 =	simm.s32 $0x108;
	s8 =	sld [smem:$0x3FB4]  }
0x2e: {  	s3 =	simm.s32 @!p0 $0x1082;
	s9 =	sld [smem:$0x3FB5]  }
0x2f: {  	lr =	sadd.s32 s0, s3;
	s0 =	sld [smem:$0x3FAC]  }
0x30: {  	s3 =	sld [smem:$0x3FAF]  }
0x31: {  	[smem:$0x3FB8] =	sst s10  }
0x32: {  	s10 =	sld [smem:$0x3FB6];
	_ =	sdelay $0x3  }
0x33: {  	p0 =	seq.s32 s10, $0x1;
	s10 =	sld [smem:$0x3FB8];
	_ =	sdelay $0x3  }
0x34: {  	[smem:$0x3FB8] =	sst s10  }
0x35: {  	s10 =	sld [smem:$0x3FB7];
	_ =	sdelay $0x3  }
0x36: {  	p1 =	seq.s32 s10, $0x1;
	s10 =	sld [smem:$0x3FB8];
	_ =	sdelay $0x3  }
0x37: {  	[smem:$0x3FB8] =	sst s10  }
0x38: {  	s10 =	sld [smem:$0x3FB9]  }
0x39: {  	_ = 	snop;
	(pc) =	sbr.ind lr, $3  }
0x3a: {  	_ = 	snop  }
0x3b: {  	_ = 	snop  }
0x3c: {  	p2 =	seq.s32 s10, $0x1;
	s10 =	sld [smem:$0x3FB8]  }
0x3d: {  	_ =	shalt  }
0x3e: {  	_ =	shalt  }
0x3f: {  	_ =	shalt  }
0x40: {  	_ =	shalt  }
0x41: {  	_ =	shalt  }
0x42: {  	_ =	shalt  }
0x43: {  	_ =	shalt  }
0x44: {  	_ =	shalt  }
0x45: {  	_ =	shalt  }
0x46: {  	_ =	shalt  }
0x47: {  	_ =	shalt  }
0x48: {  	_ =	shalt  }
0x49: {  	_ =	shalt  }
0x4a: {  	_ =	shalt  }
0x4b: {  	_ =	shalt  }
0x4c: {  	_ =	shalt  }
0x4d: {  	_ =	shalt  }
0x4e: {  	_ =	shalt  }
0x4f: {  	_ =	shalt  }
0x50: {  	_ =	shalt  }
0x51: {  	_ =	shalt  }
0x52: {  	_ =	shalt  }
0x53: {  	_ =	shalt  }
0x54: {  	_ =	shalt  }
0x55: {  	_ =	shalt  }
0x56: {  	_ =	shalt  }
0x57: {  	_ =	shalt  }
0x58: {  	_ =	shalt  }
0x59: {  	_ =	shalt  }
0x5a: {  	_ =	shalt  }
0x5b: {  	_ =	shalt  }
0x5c: {  	_ =	shalt  }
0x5d: {  	_ =	shalt  }
0x5e: {  	_ =	shalt  }
0x5f: {  	_ =	shalt  }
0x60: {  	_ =	shalt  }
0x61: {  	_ =	shalt  }
0x62: {  	_ =	shalt  }
0x63: {  	_ =	shalt  }
0x64: {  	_ =	shalt  }
0x65: {  	_ =	shalt  }
0x66: {  	_ =	shalt  }
0x67: {  	_ =	shalt  }
0x68: {  	_ =	shalt  }
0x69: {  	_ =	shalt  }
0x6a: {  	_ =	shalt  }
0x6b: {  	_ =	shalt  }
0x6c: {  	_ =	shalt  }
0x6d: {  	_ =	shalt  }
0x6e: {  	_ =	shalt  }
0x6f: {  	_ =	shalt  }
0x70: {  	_ =	shalt  }
0x71: {  	_ =	shalt  }
0x72: {  	_ =	shalt  }
0x73: {  	_ =	shalt  }
0x74: {  	_ =	shalt  }
0x75: {  	_ =	shalt  }
0x76: {  	_ =	shalt  }
0x77: {  	_ =	shalt  }
0x78: {  	_ =	shalt  }
0x79: {  	_ =	shalt  }
0x7a: {  	_ =	shalt  }
0x7b: {  	_ =	shalt  }
0x7c: {  	_ =	shalt  }
0x7d: {  	_ =	shalt  }
0x7e: {  	_ =	shalt  }
0x7f: {  	_ =	shalt  }
0x80: {  	_ =	shalt  }
0x81: {  	_ =	shalt  }
0x82: {  	_ =	shalt  }
0x83: {  	_ =	shalt  }
0x84: {  	_ =	shalt  }
0x85: {  	_ =	shalt  }
0x86: {  	_ =	shalt  }
0x87: {  	_ =	shalt  }
.Lfunc_end0:
.L_simem_size_0:
called_computation_lowered:
.L_overlay_start_0:
0x88: {  	s2 =	sld [smem:$0x3FD9]  }
0x89: {  	s3 =	sld [smem:$0x3FFE];
	_ =	sdelay $0x1  }
0x8a: {  	s1 =	srdreg.scid  }
0x8b: {  	s0 =	sand.u32 $0x1, s1  }
0x8c: {  	s17 =	sshll.u32 s0, $0xA;
	s2 =	sadd.s32 s3, s2  }
0x8d: {  	s2 =	sadd.s32 s2, s17  }
0x8e: {  	[smem:$0x3FC4] =	sst s2  }
0x8f: {  	_ = 	snop  }
0x90: {  	s2 =	sld [smem:$0x3FD0];
	(tm) =	ssettm $0x1  }
0x91: {  	s18 =	sld [smem:$0x3FFB];
	_ =	sdelay $0x3  }
0x92: {  	_ =	strace s18  }
0x93: {  	s3 =	sld [smem:$0x3FFC];
	_ =	sdelay $0x3  }
0x94: {  	_ =	strace s3  }
0x95: {  	s3 =	sld [smem:$0x3FFD];
	_ =	sdelay $0x3  }
0x96: {  	_ =	strace s3  }
0x97: {  	_ =	strace $0x8FFFFFFF  }
0x98: {  	s19 =	sld [smem:$0x3FDB];
	_ =	sdelay $0x1  }
0x99: {  	s4 =	simm.s32 $_scs_section_size  }
0x9a: {  	s5 =	simm.s32 $_size__tile_overlayer_lowered;
	s6 =	simm.s32 $_tile_overlayer_lowered  }
0x9b: {  	s22 =	simm.s32 $0x1BFF;
	s21 =	sshll.u32 s6, $0x1;
	s3 =	sadd.s32 s4, s19  }
0x9c: {  	s7 =	simm.s32 $0x0;
	s20 =	sshll.u32 s5, $0x1;
	s5 =	sadd.s32 s21, s3  }
0x9d: {  	[timem:s7], [sflag:s22] =	dma.local [hbm:s5], s20  }
0x9e: {  	_ =	swait.ge [sflag:s22], s20  }
0x9f: {  	s4 =	ssub.s32 $0x0, s20;
	[sflag:s22] =	ssyncset.done $0x0  }
0xa0: {  	[sflag:s22] =	ssyncadd.s32 s4;
	_ =	sdelay $0x1  }
0xa1: {  	s23 =	simm.s32 $0x1B8B  }
0xa2: {  	_ =	swait.ge [sflag:s23], $0x1  }
0xa3: {  	[sflag:s23] =	ssyncset.done $0x0  }
0xa4: {  	s25 =	simm.s32 $0x1B8E;
	s24 =	sld [smem:$0x3FFE];
	[sflag:s23] =	ssyncadd.s32 $0xFFFFFFFF  }
0xa5: {  	s26 =	simm.s32 $execute0_lowered;
	[smem:$0x3FD2] =	sst s25  }
0xa6: {  	s5 =	sshll.u32 s26, $0x1;
	_ =	strace $0x80000046;
	[dreg:$0x1] =	wrdreg $0xFFFFFFFF  }
0xa7: {  	s28 =	simm.s32 $_size_execute0_lowered;
	s3 =	sadd.s32 s3, s5;
	[dreg:$0x0] =	wrdreg $0x0  }
0xa8: {  	s5 =	sshll.u32 s28, $0x1;
	[dreg:$0x2] =	wrdreg s3  }
0xa9: {  	[dreg:$0x3] =	wrdreg s5  }
0xaa: {  	[dreg:$0x4] =	wrdreg $0xC0  }
0xab: {  	_ =	task [dreg:s7], $0x5FFFF  }
0xac: {  	[dreg:$0x1] =	wrdreg $0xFFFFFFFF  }
0xad: {  	[dreg:$0x0] =	wrdreg $0x60  }
0xae: {  	[dreg:$0x2] =	wrdreg s2  }
0xaf: {  	[dreg:$0x3] =	wrdreg s24  }
0xb0: {  	[dreg:$0x4] =	wrdreg $0x9  }
0xb1: {  	_ =	task.clear_ibuf [dreg:s7], $0x5FFFF;
	_ =	strace $0x90000046  }
0xb2: {  	s29 =	simm.s32 $0x9;
	_ =	strace $0x80000048  }
0xb3: {  	_ =	swait.ge [sflag:s29], $0x1  }
0xb4: {  	[sflag:s29] =	ssyncadd.s32 $0xFFFFFFFF  }
0xb5: {  	_ =	strace $0x90000048  }
0xb6: {  	_ =	sfence  }
0xb7: {  	s30 =	sld [smem:$0x0];
	_ =	sdelay $0x2  }
0xb8: {  	s31 =	sshll.u32 s1, $0xD;
	s1 =	sshrl.u32 s1, $0x2  }
0xb9: {  	s3 =	sand.u32 $0x4000, s31;
	s1 =	sadd.s32 s1, s30  }
0xba: {  	s0 =	sor.u32 s3, s0;
	s1 =	sshll.u32 s1, $0x11  }
0xbb: {  	s0 =	sor.u32 s1, s0  }
0xbc: {  	s0 =	sadd.s32 $0x8F2B, s0  }
0xbd: {  	[sflag:s0] =	ssyncadd.remote.s32 $0x1  }
0xbe: {  	_ =	sfence.sel $0xFFFF  }
0xbf: {  	[dreg:$0x0] =	wrdreg $0xFFFFFFFF;
	(pc) =	sbr.abs _section_cstart, $3  }
0xc0: {  	[dreg:$0x1] =	wrdreg $0xFFFFFFFF  }
0xc1: {  	_ =	task.clear_ibuf [dreg:s7], $0x2FFFF;
	_ =	strace $0x9FFFFFFF  }
0xc2: {  	(tm) =	ssettm $0x7FFFFFFF  }
0xc3: {  	_ =	shalt  }
tec
execute0_lowered:
.L_overlay_start_1:
0x0: {  	(tag) =	ssettag $0x1  }
0x1: {  	s0 =	srdreg.scid;
	s3 =	rddreg [dreg:$0x0]  }
0x2: {  	s5 =	rddreg [dreg:$0x1];
	s4 =	sand.u32 $0x1, s0  }
0x3: {  	s1 =	stileid.u32;
	s8 =	simm.s32 $0x0;
	s2 =	sshll.u32 s4, $0x4  }
0x4: {  	s4 =	ssub.s32 $0x2, s4;
	s6 =	sor.u32 s1, s2;
	s2 =	simm.s32 $0x0  }
0x5: {  	s7 =	sshrl.u32 s4, $0x1;
	s6 =	smul.u32 $0x500, s6;
	[smem:$0x7FF] =	sst s2  }
0x6: {  	s0 =	rddreg [dreg:$0x2];
	s7 =	ssub.s32 s4, s7;
	_ =	strace $0x80000047  }
0x7: {  	s5 =	sadd.s32 s6, s5;
	s3 =	sadd.s32 s3, s6;
	s6 =	simm.s32 $0x2800  }
0x8: {  	v0 =	vimm.f32 $0.0e+00;
	v1 =	vimm.f32 $1.000000000e+00;
	s4 =	sadd.s32 $0x1400, s5;
	s5 =	smax.u32 s7, $0x1;
	s7 =	simm.s32 $0x1  }
.LBB2_1:
0x9: {  	s9 =	simm.s32 $0x40;
	s10 =	simm.s32 $0x0  }
.LBB2_2:
0xa: {  	p0 =	sne.s32 s9, $0x9FC0;
	[tilespmem:s10+$0x0] =	vst v0;
	s10 =	smov.u32 s9;
	s9 =	sadd.s32 $0x40, s9  }
.Ltmp0:
0xb: {  	(pc) =	sbr.rel @p0 .LBB2_2-.Ltmp0, $2  }
0xc: {  	_ =	sdelay $0x2  }
0xd: {  	s10 =	sshra.s32 s10, $0x2  }
0xe: {  	[tilespmem:s10+$0x0] =	vst v0;
	s9 =	simm.s32 $0x0  }
0xf: {  	[tilespmem:s6], [sflag:$0x1] =	stream.linear.gather [hbm4b:s3+s9], $0x2800, $0x38;
	[tilespmem:$0x5000] =	vst v63  }
0x10: {  	_ =	swait.ge [sflag:s7], $0x2800  }
0x11: {  	[sflag:s7] =	ssyncset.done $0x0  }
0x12: {  	[sflag:s7] =	ssyncadd.s32 $0xFFFFD800  }
.LBB2_4:
0x13: {  	s10 =	sshra.s32 s9, $0x2  }
0x14: {  	v2 =	vld [tilespmem:s10+$0x2800];
	_ =	sdelay $0x7  }
0x15: {  	[tilespmem:v2+s2+$0x0] =	vst.idx.add.f32.msk $0xffff, v1  }
0x16: {  	v2 =	vld [tilespmem:s10+$0x2810];
	_ =	sdelay $0x7  }
0x17: {  	[tilespmem:v2+s2+$0x0] =	vst.idx.add.f32.msk $0xffff, v1  }
0x18: {  	v2 =	vld [tilespmem:s10+$0x2820];
	_ =	sdelay $0x7  }
0x19: {  	[tilespmem:v2+s2+$0x0] =	vst.idx.add.f32.msk $0xffff, v1  }
0x1a: {  	v2 =	vld [tilespmem:s10+$0x2830];
	_ =	sdelay $0x2  }
0x1b: {  	p0 =	sne.s32 s9, $0x9F00  }
.Ltmp1:
0x1c: {  	_ = 	snop;
	(pc) =	sbr.rel @p0 .LBB2_4-.Ltmp1, $2  }
0x1d: {  	_ =	sdelay $0x2  }
0x1e: {  	s9 =	sadd.s32 $0x100, s9;
	[tilespmem:v2+s2+$0x0] =	vst.idx.add.f32.msk $0xffff, v1  }
0x1f: {  	s8 =	sadd.s32 $0x1, s8  }
0x20: {  	p0 =	sne.s32 s8, s5  }
.Ltmp2:
0x21: {  	_ = 	snop;
	(pc) =	sbr.rel @p0 .LBB2_1-.Ltmp2, $4  }
0x22: {  	[hbm4b:s4+s2] =	stream.linear.scatter [tilespmem:s2], [sflag:$0x1], $0x2800, $0x38;
	[tilespmem:$0x5000] =	vst v63  }
0x23: {  	_ =	swait.ge [sflag:s7], $0x2800  }
0x24: {  	[sflag:s7] =	ssyncset.done $0x0  }
0x25: {  	[sflag:s7] =	ssyncadd.s32 $0xFFFFD800  }
0x26: {  	_ =	sfence.sel $0x180000  }
0x27: {  	[bflag:$0x0] =	sbarrier.arrive $0xFFFF  }
0x28: {  	p0 =	sne.s32 s1, $0x0;
	_ =	strace $0x90000047  }
0x29: {  	s0 =	sadd.s32 @!p0 $0x100000, s0;
	[bflag:$0x2] =	sbarrier.arrive $0xFFFF  }
0x2a: {  	[sflag:s0] =	ssyncadd.tile.s32 @!p0 $0x1;
	_ =	shalt  }
.Lfunc_end2:
_tile_overlayer_lowered:
.L_overlay_start_2:
0x2b: {  	(tag) =	ssettag $0x2  }
0x2c: {  	s0 =	rddreg [dreg:$0x0];
	s2 =	stileid.u32  }
0x2d: {  	s1 =	rddreg [dreg:$0x1];
	p0 =	sne.s32 s2, $0x0  }
0x2e: {  	s3 =	rddreg [dreg:$0x2];
	[bflag:$0x3] =	sbarrier.arrive $0xFFFF;
	s2 =	simm.s32 @!p0 $0x1C01  }
0x2f: {  	[timem:s3], [sflag:s2] =	dma.local @!p0 [hbm:s0], s1  }
0x30: {  	s0 =	simm.s32 @!p0 $0x1  }
0x31: {  	_ =	swait.ge @!p0 [sflag:s0], s1  }
0x32: {  	s1 =	ssub.s32 @!p0 $0x0, s1;
	[sflag:s0] =	ssyncset.done @!p0 $0x0  }
0x33: {  	[sflag:s0] =	ssyncadd.s32 @!p0 s1  }
0x34: {  	[bflag:$0x3] =	sbarrier.arrive $0xFFFF  }
0x35: {  	_ =	shalt  }

// kernel: kernel.9.cloned.1.call-start
scs
__scs_entry_jumppad:
0x0: {  	(pc) =	sbr.rel $0x88, $3  }
0x1: {  	(tag) =	ssettag $0x0;
	lr =	simm.s32 $0x1  }
0x2: {  	[smem:$0x3F9D] =	sst lr;
	_ =	strace $0xD0000000  }
0x3: {  	_ = 	snop  }
0x4: {  	_ = 	snop  }
0x5: {  	_ = 	snop  }
0x6: {  	_ = 	snop  }
0x7: {  	_ = 	snop  }
__scs_overlays_trampoline_lowered:
0x8: {  	[smem:$0x3FAC] =	sst s0  }
0x9: {  	[smem:$0x3FAD] =	sst s1  }
0xa: {  	[smem:$0x3FAE] =	sst s2  }
0xb: {  	[smem:$0x3FAF] =	sst s3  }
0xc: {  	[smem:$0x3FB0] =	sst s4  }
0xd: {  	[smem:$0x3FB1] =	sst s5  }
0xe: {  	[smem:$0x3FB2] =	sst s6  }
0xf: {  	[smem:$0x3FB3] =	sst s7  }
0x10: {  	[smem:$0x3FB4] =	sst s8  }
0x11: {  	[smem:$0x3FB5] =	sst s9;
	s0 =	simm.s32 @!p0 $0x0  }
0x12: {  	s1 =	sld [smem:$0x3F9B];
	s0 =	simm.s32 @p0 $0x1  }
0x13: {  	[smem:$0x3FB6] =	sst s0;
	s0 =	simm.s32 @!p1 $0x0  }
0x14: {  	s2 =	sld [smem:$0x3F9A];
	s0 =	simm.s32 @p1 $0x1  }
0x15: {  	[smem:$0x3FB7] =	sst s0;
	s0 =	simm.s32 @!p2 $0x0  }
0x16: {  	s3 =	sld [smem:$0x3FDB];
	s0 =	simm.s32 @p2 $0x1  }
0x17: {  	s4 =	simm.s32 $0x1BF5;
	[smem:$0x3FB9] =	sst s0  }
0x18: {  	s0 =	sld [smem:$0x3F9C];
	_ =	swait.ge [sflag:s4], $0x0  }
0x19: {  	s7 =	sld [smem:$0x3F9D]  }
0x1a: {  	s8 =	sadd.s32 $0xFFFFE003, lr  }
0x1b: {  	s9 =	sadd.s32 $0xFFFFFEF7, lr;
	s5 =	simm.s32 $0xFFFFFFFF;
	p2 =	slt.u32 s8, $0xFFFFF086  }
0x1c: {  	p1 =	slt.u32 s9, $0xF7A;
	s5 =	simm.s32 @!p2 $0x0  }
0x1d: {  	s5 =	simm.s32 @p1 $0x1;
	p0 =	seq.s32 s7, s2  }
0x1e: {  	s7 =	smul.u32 @!p0 $0xF7A, s2;
	p2 =	seq.s32 @!p0 s5, $0x0  }
0x1f: {  	s9 =	smul.u32 $0xF7A, s1;
	s8 =	simm.s32 @!p0 $0x1BF5;
	p2 =	por !p2, p0  }
0x20: {  	[sflag:s8] =	ssyncset.s32 @!p0 $0xFFFFF086;
	s6 =	sadd.s32 @!p0 s3, s7;
	s7 =	simm.s32 @!p0 $0x108  }
0x21: {  	s3 =	sadd.s32 s3, s9;
	s6 =	sadd.s32 @!p0 $0x88, s6;
	s7 =	simm.s32 @p2 $0x1082  }
0x22: {  	[simem:s7], [sflag:s8] =	dma.local @!p0 [hbm:s6], $0xF7A  }
0x23: {  	s9 =	sor.u32 $0xD0000000, s2;
	s6 =	simm.s32 $0x108;
	_ =	swait.ge @!p0 [sflag:s8], $0x0  }
0x24: {  	s3 =	sadd.s32 $0x88, s3;
	s6 =	simm.s32 @!p1 $0x1082;
	[sflag:s4] =	ssyncset.s32 $0xFFFFF086  }
0x25: {  	[simem:s6], [sflag:s4] =	dma.local [hbm:s3], $0xF7A  }
0x26: {  	[smem:$0x3F9D] =	sst s1;
	(tag) =	ssettag s2;
	_ =	strace s9  }
0x27: {  	s1 =	sld [smem:$0x3FAD]  }
0x28: {  	s2 =	sld [smem:$0x3FAE]  }
0x29: {  	s4 =	sld [smem:$0x3FB0]  }
0x2a: {  	p0 =	seq.s32 s5, $0x0;
	s5 =	sld [smem:$0x3FB1]  }
0x2b: {  	s6 =	sld [smem:$0x3FB2]  }
0x2c: {  	s7 =	sld [smem:$0x3FB3]  }
0x2d: {  	s3 =	simm.s32 $0x108;
	s8 =	sld [smem:$0x3FB4]  }
0x2e: {  	s3 =	simm.s32 @!p0 $0x1082;
	s9 =	sld [smem:$0x3FB5]  }
0x2f: {  	lr =	sadd.s32 s0, s3;
	s0 =	sld [smem:$0x3FAC]  }
0x30: {  	s3 =	sld [smem:$0x3FAF]  }
0x31: {  	[smem:$0x3FB8] =	sst s10  }
0x32: {  	s10 =	sld [smem:$0x3FB6];
	_ =	sdelay $0x3  }
0x33: {  	p0 =	seq.s32 s10, $0x1;
	s10 =	sld [smem:$0x3FB8];
	_ =	sdelay $0x3  }
0x34: {  	[smem:$0x3FB8] =	sst s10  }
0x35: {  	s10 =	sld [smem:$0x3FB7];
	_ =	sdelay $0x3  }
0x36: {  	p1 =	seq.s32 s10, $0x1;
	s10 =	sld [smem:$0x3FB8];
	_ =	sdelay $0x3  }
0x37: {  	[smem:$0x3FB8] =	sst s10  }
0x38: {  	s10 =	sld [smem:$0x3FB9]  }
0x39: {  	_ = 	snop;
	(pc) =	sbr.ind lr, $3  }
0x3a: {  	_ = 	snop  }
0x3b: {  	_ = 	snop  }
0x3c: {  	p2 =	seq.s32 s10, $0x1;
	s10 =	sld [smem:$0x3FB8]  }
0x3d: {  	_ =	shalt  }
0x3e: {  	_ =	shalt  }
0x3f: {  	_ =	shalt  }
0x40: {  	_ =	shalt  }
0x41: {  	_ =	shalt  }
0x42: {  	_ =	shalt  }
0x43: {  	_ =	shalt  }
0x44: {  	_ =	shalt  }
0x45: {  	_ =	shalt  }
0x46: {  	_ =	shalt  }
0x47: {  	_ =	shalt  }
0x48: {  	_ =	shalt  }
0x49: {  	_ =	shalt  }
0x4a: {  	_ =	shalt  }
0x4b: {  	_ =	shalt  }
0x4c: {  	_ =	shalt  }
0x4d: {  	_ =	shalt  }
0x4e: {  	_ =	shalt  }
0x4f: {  	_ =	shalt  }
0x50: {  	_ =	shalt  }
0x51: {  	_ =	shalt  }
0x52: {  	_ =	shalt  }
0x53: {  	_ =	shalt  }
0x54: {  	_ =	shalt  }
0x55: {  	_ =	shalt  }
0x56: {  	_ =	shalt  }
0x57: {  	_ =	shalt  }
0x58: {  	_ =	shalt  }
0x59: {  	_ =	shalt  }
0x5a: {  	_ =	shalt  }
0x5b: {  	_ =	shalt  }
0x5c: {  	_ =	shalt  }
0x5d: {  	_ =	shalt  }
0x5e: {  	_ =	shalt  }
0x5f: {  	_ =	shalt  }
0x60: {  	_ =	shalt  }
0x61: {  	_ =	shalt  }
0x62: {  	_ =	shalt  }
0x63: {  	_ =	shalt  }
0x64: {  	_ =	shalt  }
0x65: {  	_ =	shalt  }
0x66: {  	_ =	shalt  }
0x67: {  	_ =	shalt  }
0x68: {  	_ =	shalt  }
0x69: {  	_ =	shalt  }
0x6a: {  	_ =	shalt  }
0x6b: {  	_ =	shalt  }
0x6c: {  	_ =	shalt  }
0x6d: {  	_ =	shalt  }
0x6e: {  	_ =	shalt  }
0x6f: {  	_ =	shalt  }
0x70: {  	_ =	shalt  }
0x71: {  	_ =	shalt  }
0x72: {  	_ =	shalt  }
0x73: {  	_ =	shalt  }
0x74: {  	_ =	shalt  }
0x75: {  	_ =	shalt  }
0x76: {  	_ =	shalt  }
0x77: {  	_ =	shalt  }
0x78: {  	_ =	shalt  }
0x79: {  	_ =	shalt  }
0x7a: {  	_ =	shalt  }
0x7b: {  	_ =	shalt  }
0x7c: {  	_ =	shalt  }
0x7d: {  	_ =	shalt  }
0x7e: {  	_ =	shalt  }
0x7f: {  	_ =	shalt  }
0x80: {  	_ =	shalt  }
0x81: {  	_ =	shalt  }
0x82: {  	_ =	shalt  }
0x83: {  	_ =	shalt  }
0x84: {  	_ =	shalt  }
0x85: {  	_ =	shalt  }
0x86: {  	_ =	shalt  }
0x87: {  	_ =	shalt  }
.Lfunc_end0:
.L_simem_size_0:
called_computation.1_lowered:
.L_overlay_start_0:
0x88: {  	s2 =	sld [smem:$0x3FD9]  }
0x89: {  	s3 =	sld [smem:$0x3FFE];
	_ =	sdelay $0x1  }
0x8a: {  	s1 =	srdreg.scid  }
0x8b: {  	s0 =	sand.u32 $0x1, s1  }
0x8c: {  	s17 =	sshll.u32 s0, $0xA;
	s2 =	sadd.s32 s3, s2  }
0x8d: {  	s2 =	sadd.s32 s2, s17  }
0x8e: {  	[smem:$0x3FC4] =	sst s2  }
0x8f: {  	_ = 	snop  }
0x90: {  	s2 =	sld [smem:$0x3FD0];
	(tm) =	ssettm $0x1  }
0x91: {  	s18 =	sld [smem:$0x3FFB];
	_ =	sdelay $0x3  }
0x92: {  	_ =	strace s18  }
0x93: {  	s3 =	sld [smem:$0x3FFC];
	_ =	sdelay $0x3  }
0x94: {  	_ =	strace s3  }
0x95: {  	s3 =	sld [smem:$0x3FFD];
	_ =	sdelay $0x3  }
0x96: {  	_ =	strace s3  }
0x97: {  	_ =	strace $0x8FFFFFFF  }
0x98: {  	s19 =	sld [smem:$0x3FDB];
	_ =	sdelay $0x1  }
0x99: {  	s4 =	simm.s32 $_scs_section_size  }
0x9a: {  	s5 =	simm.s32 $_size__tile_overlayer_lowered;
	s6 =	simm.s32 $_tile_overlayer_lowered  }
0x9b: {  	s22 =	simm.s32 $0x1BFF;
	s21 =	sshll.u32 s6, $0x1;
	s3 =	sadd.s32 s4, s19  }
0x9c: {  	s7 =	simm.s32 $0x0;
	s20 =	sshll.u32 s5, $0x1;
	s5 =	sadd.s32 s21, s3  }
0x9d: {  	[timem:s7], [sflag:s22] =	dma.local [hbm:s5], s20  }
0x9e: {  	_ =	swait.ge [sflag:s22], s20  }
0x9f: {  	s4 =	ssub.s32 $0x0, s20;
	[sflag:s22] =	ssyncset.done $0x0  }
0xa0: {  	[sflag:s22] =	ssyncadd.s32 s4;
	_ =	sdelay $0x1  }
0xa1: {  	s23 =	simm.s32 $0x1B8B  }
0xa2: {  	_ =	swait.ge [sflag:s23], $0x1  }
0xa3: {  	[sflag:s23] =	ssyncset.done $0x0  }
0xa4: {  	s25 =	simm.s32 $0x1B8E;
	s24 =	sld [smem:$0x3FFE];
	[sflag:s23] =	ssyncadd.s32 $0xFFFFFFFF  }
0xa5: {  	s26 =	simm.s32 $execute0_lowered;
	[smem:$0x3FD2] =	sst s25  }
0xa6: {  	s5 =	sshll.u32 s26, $0x1;
	_ =	strace $0x80000049;
	[dreg:$0x1] =	wrdreg $0xFFFFFFFF  }
0xa7: {  	s28 =	simm.s32 $_size_execute0_lowered;
	s3 =	sadd.s32 s3, s5;
	[dreg:$0x0] =	wrdreg $0x0  }
0xa8: {  	s5 =	sshll.u32 s28, $0x1;
	[dreg:$0x2] =	wrdreg s3  }
0xa9: {  	[dreg:$0x3] =	wrdreg s5  }
0xaa: {  	[dreg:$0x4] =	wrdreg $0xC0  }
0xab: {  	_ =	task [dreg:s7], $0x5FFFF  }
0xac: {  	[dreg:$0x1] =	wrdreg $0xFFFFFFFF  }
0xad: {  	[dreg:$0x0] =	wrdreg $0x60  }
0xae: {  	[dreg:$0x2] =	wrdreg s24  }
0xaf: {  	[dreg:$0x3] =	wrdreg s2  }
0xb0: {  	[dreg:$0x4] =	wrdreg $0x31000  }
0xb1: {  	[dreg:$0x5] =	wrdreg $0x81000  }
0xb2: {  	[dreg:$0x6] =	wrdreg $0x9  }
0xb3: {  	_ =	task.clear_ibuf [dreg:s7], $0x7FFFF;
	_ =	strace $0x90000049  }
0xb4: {  	s29 =	simm.s32 $0x9;
	_ =	strace $0x8000004B  }
0xb5: {  	_ =	swait.ge [sflag:s29], $0x1  }
0xb6: {  	[sflag:s29] =	ssyncadd.s32 $0xFFFFFFFF  }
0xb7: {  	_ =	strace $0x9000004B  }
0xb8: {  	_ =	sfence  }
0xb9: {  	s30 =	sld [smem:$0x0];
	_ =	sdelay $0x2  }
0xba: {  	s31 =	sshll.u32 s1, $0xD;
	s1 =	sshrl.u32 s1, $0x2  }
0xbb: {  	s3 =	sand.u32 $0x4000, s31;
	s1 =	sadd.s32 s1, s30  }
0xbc: {  	s0 =	sor.u32 s3, s0;
	s1 =	sshll.u32 s1, $0x11  }
0xbd: {  	s0 =	sor.u32 s1, s0  }
0xbe: {  	s0 =	sadd.s32 $0x8F2B, s0  }
0xbf: {  	[sflag:s0] =	ssyncadd.remote.s32 $0x1  }
0xc0: {  	_ =	sfence.sel $0xFFFF  }
0xc1: {  	[dreg:$0x0] =	wrdreg $0xFFFFFFFF;
	(pc) =	sbr.abs _section_cstart, $3  }
0xc2: {  	[dreg:$0x1] =	wrdreg $0xFFFFFFFF  }
0xc3: {  	_ =	task.clear_ibuf [dreg:s7], $0x2FFFF;
	_ =	strace $0x9FFFFFFF  }
0xc4: {  	(tm) =	ssettm $0x7FFFFFFF  }
0xc5: {  	_ =	shalt  }
tec
execute0_lowered:
.L_overlay_start_1:
0x0: {  	(tag) =	ssettag $0x1  }
0x1: {  	s1 =	srdreg.scid;
	s0 =	rddreg [dreg:$0x0]  }
0x2: {  	s23 =	stileid.u32;
	s4 =	rddreg [dreg:$0x1]  }
0x3: {  	s28 =	simm.s32 $0x2900;
	s29 =	simm.s32 $0x2080;
	s30 =	simm.s32 $0x2  }
0x4: {  	s31 =	simm.s32 $0x20C0;
	s2 =	sand.u32 $0x1, s1;
	s1 =	simm.s32 $0x0  }
0x5: {  	s5 =	smul.u32 $0xA000, s23;
	s7 =	sadd.s32 $0x1F400, s0;
	p0 =	seq.s32 s23, $0xF  }
0x6: {  	s3 =	smul.u32 $0x9C400, s2;
	[smem:$0x7FF] =	sst s1;
	s6 =	ssub.s32 $0x2, s2  }
0x7: {  	s2 =	smul.u32 $0xA0000, s2;
	s8 =	sshrl.u32 s6, $0x1;
	s10 =	sadd.s32 $0x2000, s5  }
0x8: {  	s11 =	sadd.s32 $0x4000, s5;
	s13 =	sadd.s32 $0x5000, s5;
	s15 =	sadd.s32 $0x6000, s5  }
0x9: {  	s9 =	sadd.s32 s5, s3;
	s6 =	ssub.s32 s6, s8;
	s3 =	sshrl.u32 s3, $0x4  }
0xa: {  	s20 =	sadd.s32 s2, s5;
	s24 =	sadd.s32 s2, s10;
	s12 =	sadd.s32 s2, s11  }
0xb: {  	s14 =	sadd.s32 s2, s15;
	s11 =	sshrl.u32 s11, $0x1;
	s15 =	sshrl.u32 s15, $0x1  }
0xc: {  	s19 =	sshrl.u32 s9, $0x4;
	s3 =	sadd.s32 s7, s3;
	s12 =	sshrl.u32 s12, $0x4  }
0xd: {  	s8 =	sadd.s32 s7, s19;
	s7 =	sshrl.u32 s20, $0x4;
	s26 =	sadd.s32 s4, s12  }
0xe: {  	s12 =	sadd.s32 s2, s13;
	s19 =	sadd.s32 $0x7000, s5;
	[dreg:$0x5] =	wrdreg s8  }
0xf: {  	s8 =	sor.u32 $0x1000, s5;
	s7 =	sadd.s32 s4, s7;
	s16 =	sadd.s32 s2, s19  }
0x10: {  	s21 =	sadd.s32 s2, s8;
	[dreg:$0x6] =	wrdreg s7;
	s7 =	sshrl.u32 s24, $0x4  }
0x11: {  	s9 =	sshrl.u32 s21, $0x4;
	s7 =	sadd.s32 s4, s7;
	s21 =	sadd.s32 $0x8000, s5  }
0x12: {  	s22 =	sadd.s32 s4, s9;
	s9 =	sadd.s32 $0x3000, s5;
	[dreg:$0x8] =	wrdreg s7  }
0x13: {  	[dreg:$0x7] =	wrdreg s22;
	s25 =	sadd.s32 s2, s9;
	s22 =	sadd.s32 $0x9000, s5  }
0x14: {  	s18 =	sadd.s32 s2, s21;
	s7 =	sshrl.u32 s25, $0x4;
	s2 =	sadd.s32 s2, s22  }
0x15: {  	[dreg:$0xa] =	wrdreg s26;
	s7 =	sadd.s32 s4, s7;
	s2 =	sshrl.u32 s2, $0x4  }
0x16: {  	[dreg:$0x9] =	wrdreg s7;
	s7 =	sshrl.u32 s12, $0x4;
	s12 =	sshrl.u32 s16, $0x4  }
0x17: {  	s2 =	sadd.s32 s4, s2;
	s17 =	sadd.s32 s4, s12;
	s12 =	rddreg [dreg:$0x2]  }
0x18: {  	s6 =	smax.u32 s6, $0x1;
	s7 =	sadd.s32 s4, s7;
	[dreg:$0xf] =	wrdreg s2  }
0x19: {  	s20 =	smul.u32 $0x14000, s23;
	s13 =	sshrl.u32 s13, $0x1;
	[dreg:$0xb] =	wrdreg s7  }
0x1a: {  	s24 =	sadd.s32 $0x9600, s3;
	s16 =	smul.u32 $0x5000, s23;
	[dreg:$0xd] =	wrdreg s17  }
0x1b: {  	s25 =	sshrl.u32 s20, $0x2;
	s7 =	sshrl.u32 s14, $0x4;
	s14 =	rddreg [dreg:$0x3]  }
0x1c: {  	s17 =	sadd.s32 $0xB400, s0;
	s26 =	sshrl.u32 s16, $0x3;
	s7 =	sadd.s32 s4, s7  }
0x1d: {  	s20 =	sadd.s32 s25, s14;
	s25 =	sshrl.u32 s21, $0x1;
	[dreg:$0xc] =	wrdreg s7  }
0x1e: {  	s7 =	sshrl.u32 s18, $0x4;
	s18 =	sadd.s32 $0x15400, s0;
	s0 =	sshrl.u32 s5, $0x1  }
0x1f: {  	s23 =	sadd.s32 $0x1000, s20;
	s7 =	sadd.s32 s4, s7;
	s4 =	sadd.s32 s17, s26  }
0x20: {  	s5 =	sadd.s32 s18, s26;
	s3 =	sadd.s32 s0, s12;
	s0 =	sadd.s32 s0, s14  }
0x21: {  	s26 =	sshrl.u32 s22, $0x1;
	s22 =	sadd.s32 $0x800, s20;
	[dreg:$0xe] =	wrdreg s7  }
0x22: {  	s7 =	sshrl.u32 s8, $0x1;
	_ =	strace $0x8000004A;
	[dreg:$0x10] =	wrdreg s24  }
0x23: {  	s8 =	sshrl.u32 s10, $0x1;
	s10 =	sshrl.u32 s9, $0x1;
	[dreg:$0x11] =	wrdreg s4  }
0x24: {  	s3 =	sshrl.u32 @!p0 s3, $0x3;
	s0 =	sshrl.u32 s0, $0x3;
	[dreg:$0x12] =	wrdreg s5  }
0x25: {  	[dreg:$0x13] =	wrdreg s6;
	s2 =	sadd.s32 s7, s14;
	s4 =	sadd.s32 s8, s14  }
0x26: {  	s5 =	sadd.s32 s10, s14;
	s6 =	sadd.s32 s11, s14;
	[dreg:$0x15] =	wrdreg s3  }
0x27: {  	s7 =	sadd.s32 s13, s14;
	s24 =	sshrl.u32 s19, $0x1;
	[dreg:$0x16] =	wrdreg s0  }
0x28: {  	s8 =	sadd.s32 s15, s14;
	s13 =	sadd.s32 $0x4B000, s12;
	[smem:$0x7F9] =	sst s22  }
0x29: {  	s10 =	sadd.s32 s25, s14;
	[smem:$0x7FA] =	sst s23;
	s25 =	sadd.s32 $0x2000, s20  }
0x2a: {  	s11 =	sadd.s32 s26, s14;
	s26 =	sadd.s32 $0x2800, s20;
	[smem:$0x7FC] =	sst s25  }
0x2b: {  	s22 =	simm.s32 $0x6;
	s13 =	sshrl.u32 @p0 s13, $0x3;
	[smem:$0x7FD] =	sst s26  }
0x2c: {  	s23 =	simm.s32 $0x1;
	s3 =	sshrl.u32 s2, $0x3;
	[dreg:$0x14] =	wrdreg s13  }
0x2d: {  	s9 =	sadd.s32 s24, s14;
	s4 =	sshrl.u32 s4, $0x3;
	[dreg:$0x17] =	wrdreg s3  }
0x2e: {  	s5 =	sshrl.u32 s5, $0x3;
	s6 =	sshrl.u32 s6, $0x3;
	[dreg:$0x18] =	wrdreg s4  }
0x2f: {  	s7 =	sshrl.u32 s7, $0x3;
	s19 =	sshrl.u32 s10, $0x3;
	[dreg:$0x19] =	wrdreg s5  }
0x30: {  	s21 =	sshrl.u32 s11, $0x3;
	s24 =	sadd.s32 $0x1800, s20;
	[dreg:$0x1a] =	wrdreg s6  }
0x31: {  	s10 =	sadd.s32 $0x3000, s20;
	s25 =	simm.s32 $0x2000;
	[dreg:$0x1b] =	wrdreg s7  }
0x32: {  	s26 =	simm.s32 $0x2040;
	s11 =	simm.s32 $0x3;
	[dreg:$0x1e] =	wrdreg s19  }
0x33: {  	s2 =	simm.s32 $0x4;
	s13 =	sshrl.u32 s8, $0x3;
	[dreg:$0x1f] =	wrdreg s21  }
0x34: {  	s15 =	sshrl.u32 s9, $0x3;
	[smem:$0x7FB] =	sst s24;
	s19 =	sadd.s32 $0x4800, s20  }
0x35: {  	s21 =	simm.s32 $0x2100;
	s24 =	simm.s32 $0x40;
	[dreg:$0x1c] =	wrdreg s13  }
0x36: {  	v0 =	vimm.bf16 $0.0e+00;
	[dreg:$0x1d] =	wrdreg s15;
	s13 =	sadd.s32 $0x3800, s20;
	s15 =	sadd.s32 $0x4000, s20  }
.LBB2_1:
0x37: {  	s3 =	rddreg [dreg:$0x10]  }
0x38: {  	s0 =	simm.s32 @p0 $0x1FC6;
	s4 =	rddreg [dreg:$0x14]  }
0x39: {  	[spmem:s4], [sflag:s0] =	dma.local @p0 [hbm:s3], $0x640  }
0x3a: {  	s0 =	simm.s32 @p0 $0x6  }
0x3b: {  	s3 =	stileid.u32;
	_ =	swait.ge @p0 [sflag:s0], $0x640  }
0x3c: {  	s3 =	sshll.u32 @!p0 s3, $0x6;
	[sflag:s0] =	ssyncset.done @p0 $0x0;
	s4 =	rddreg [dreg:$0x15]  }
0x3d: {  	[sflag:s0] =	ssyncadd.s32 @p0 $0xFFFFF9C0;
	s0 =	sor.u32 @!p0 $0x1C06, s3;
	s3 =	rddreg [dreg:$0x5]  }
0x3e: {  	[spmem:s4], [sflag:s0] =	dma.local @!p0 [hbm:s3], $0xA00  }
0x3f: {  	s3 =	simm.s32 @!p0 $0x6  }
0x40: {  	_ =	swait.ge @!p0 [sflag:s3], $0xA00  }
0x41: {  	s0 =	simm.s32 @!p0 $0x0;
	[sflag:s3] =	ssyncset.done @!p0 $0x0  }
0x42: {  	s0 =	simm.s32 @p0 $0x0;
	[sflag:s3] =	ssyncadd.s32 @!p0 $0xFFFFF600  }
.LBB2_2:
0x43: {  	p1 =	seq.s32 s0, $0x1F80  }
.Ltmp0:
0x44: {  	_ = 	snop;
	(pc) =	sbr.rel @!p1 .LBB2_2-.Ltmp0, $4  }
0x45: {  	_ = 	snop  }
0x46: {  	s3 =	sshra.s32 s0, $0x2  }
0x47: {  	[tilespmem:s3+$0x2100] =	vst v0  }
0x48: {  	s0 =	sadd.s32 $0x80, s0;
	[tilespmem:s3+$0x2110] =	vst v0  }
0x49: {  	[spmem:s20] =	stream.linear.scatter [tilespmem:s21], [sflag:$0x6], $0x800, $0x38;
	[tilespmem:$0xD100] =	vst v63  }
0x4a: {  	_ =	swait.ge [sflag:s22], $0x800  }
0x4b: {  	s0 =	sld [smem:$0x7F9]  }
0x4c: {  	[sflag:s22] =	ssyncset.done $0x0  }
0x4d: {  	[sflag:s22] =	ssyncadd.s32 $0xFFFFF800  }
0x4e: {  	[spmem:s0] =	stream.linear.scatter [tilespmem:s21], [sflag:$0x6], $0x800, $0x38;
	[tilespmem:$0xD100] =	vst v63  }
0x4f: {  	_ =	swait.ge [sflag:s22], $0x800  }
0x50: {  	s4 =	sld [smem:$0x7FA]  }
0x51: {  	[sflag:s22] =	ssyncset.done $0x0  }
0x52: {  	[sflag:s22] =	ssyncadd.s32 $0xFFFFF800  }
0x53: {  	[spmem:s4] =	stream.linear.scatter [tilespmem:s21], [sflag:$0x6], $0x800, $0x38;
	[tilespmem:$0xD100] =	vst v63  }
0x54: {  	_ =	swait.ge [sflag:s22], $0x800  }
0x55: {  	s5 =	sld [smem:$0x7FB]  }
0x56: {  	[sflag:s22] =	ssyncset.done $0x0  }
0x57: {  	[sflag:s22] =	ssyncadd.s32 $0xFFFFF800  }
0x58: {  	[spmem:s5] =	stream.linear.scatter [tilespmem:s21], [sflag:$0x6], $0x800, $0x38;
	[tilespmem:$0xD100] =	vst v63  }
0x59: {  	_ =	swait.ge [sflag:s22], $0x800  }
0x5a: {  	s6 =	sld [smem:$0x7FC]  }
0x5b: {  	[sflag:s22] =	ssyncset.done $0x0  }
0x5c: {  	[sflag:s22] =	ssyncadd.s32 $0xFFFFF800  }
0x5d: {  	[spmem:s6] =	stream.linear.scatter [tilespmem:s21], [sflag:$0x6], $0x800, $0x38;
	[tilespmem:$0xD100] =	vst v63  }
0x5e: {  	_ =	swait.ge [sflag:s22], $0x800  }
0x5f: {  	s7 =	sld [smem:$0x7FD]  }
0x60: {  	[sflag:s22] =	ssyncset.done $0x0  }
0x61: {  	[sflag:s22] =	ssyncadd.s32 $0xFFFFF800  }
0x62: {  	[spmem:s7] =	stream.linear.scatter [tilespmem:s21], [sflag:$0x6], $0x800, $0x38;
	[tilespmem:$0xD100] =	vst v63  }
0x63: {  	_ =	swait.ge [sflag:s22], $0x800  }
0x64: {  	[sflag:s22] =	ssyncset.done $0x0  }
0x65: {  	[sflag:s22] =	ssyncadd.s32 $0xFFFFF800  }
0x66: {  	[spmem:s10] =	stream.linear.scatter [tilespmem:s21], [sflag:$0x6], $0x800, $0x38;
	[tilespmem:$0xD100] =	vst v63  }
0x67: {  	_ =	swait.ge [sflag:s22], $0x800  }
0x68: {  	[sflag:s22] =	ssyncset.done $0x0  }
0x69: {  	[sflag:s22] =	ssyncadd.s32 $0xFFFFF800  }
0x6a: {  	[spmem:s13] =	stream.linear.scatter [tilespmem:s21], [sflag:$0x6], $0x800, $0x38;
	[tilespmem:$0xD100] =	vst v63  }
0x6b: {  	_ =	swait.ge [sflag:s22], $0x800  }
0x6c: {  	[sflag:s22] =	ssyncset.done $0x0  }
0x6d: {  	[sflag:s22] =	ssyncadd.s32 $0xFFFFF800  }
0x6e: {  	[spmem:s15] =	stream.linear.scatter [tilespmem:s21], [sflag:$0x6], $0x800, $0x38;
	[tilespmem:$0xD100] =	vst v63  }
0x6f: {  	_ =	swait.ge [sflag:s22], $0x800  }
0x70: {  	[sflag:s22] =	ssyncset.done $0x0  }
0x71: {  	[sflag:s22] =	ssyncadd.s32 $0xFFFFF800  }
0x72: {  	[spmem:s19] =	stream.linear.scatter [tilespmem:s21], [sflag:$0x6], $0x800, $0x38;
	[tilespmem:$0xD100] =	vst v63  }
0x73: {  	_ =	swait.ge [sflag:s22], $0x800  }
0x74: {  	[sflag:s22] =	ssyncset.done $0x0  }
0x75: {  	s3 =	simm.s32 $0x0;
	s8 =	rddreg [dreg:$0x11];
	[sflag:s22] =	ssyncadd.s32 $0xFFFFF800  }
0x76: {  	[tilespmem:s3], [sflag:$0x6] =	stream.linear.gather [hbm4b:s8+s3], $0x800, $0x38;
	[tilespmem:$0xD100] =	vst v63  }
0x77: {  	_ =	swait.ge [sflag:s22], $0x800  }
0x78: {  	[sflag:s22] =	ssyncset.done $0x0  }
0x79: {  	s4 =	simm.s32 $0x1000;
	s9 =	rddreg [dreg:$0x12];
	[sflag:s22] =	ssyncadd.s32 $0xFFFFF800  }
0x7a: {  	[tilespmem:s4], [sflag:$0x6] =	stream.linear.gather [hbm4b:s9+s3], $0x800, $0x38;
	[tilespmem:$0xD100] =	vst v63  }
0x7b: {  	_ =	swait.ge [sflag:s22], $0x800  }
0x7c: {  	[sflag:s22] =	ssyncset.done $0x0  }
0x7d: {  	[sflag:s22] =	ssyncadd.s32 $0xFFFFF800  }
0x7e: {  	p1 =	por $0x0, $0x0;
	[bflag:$0x0] =	sbarrier.arrive $0xFFFF  }
.LBB2_4:
0x7f: {  	p2 =	seq.s32 s3, $0x0  }
0x80: {  	s0 =	smov.u32 s3;
	s3 =	simm.s32 @!p2 $0x5  }
0x81: {  	_ =	swait.ge @!p2 [sflag:s3], $0x800  }
0x82: {  	[sflag:s3] =	ssyncset.done @!p2 $0x0  }
0x83: {  	[sflag:s3] =	ssyncadd.s32 @!p2 $0xFFFFF800  }
0x84: {  	s5 =	sand.u32 $0x1, s0;
	_ =	swait.ge @!p2 [sflag:s3], $0x800  }
0x85: {  	s4 =	sshll.u32 s5, $0xD;
	[sflag:s3] =	ssyncset.done @!p2 $0x0  }
0x86: {  	s4 =	sshrl.u32 s4, $0x2;
	[sflag:s3] =	ssyncadd.s32 @!p2 $0xFFFFF800  }
0x87: {  	v1 =	vld [tilespmem:s4+$0x0];
	_ =	sdelay $0x4  }
0x88: {  	[tilespmem:$0x2000] =	vst v1  }
0x89: {  	v1 =	vld [tilespmem:s4+$0x10];
	_ =	sdelay $0x4  }
0x8a: {  	[tilespmem:$0x2010] =	vst v1  }
0x8b: {  	v1 =	vld [tilespmem:s4+$0x20];
	_ =	sdelay $0x4  }
0x8c: {  	[tilespmem:$0x2020] =	vst v1  }
0x8d: {  	v1 =	vld [tilespmem:s4+$0x30];
	_ =	sdelay $0x4  }
0x8e: {  	[tilespmem:$0x2030] =	vst v1  }
0x8f: {  	[tilespmem:s21], [sflag:$0x1] =	stream.indirect.gather [spmem:s12], $0x20, s25, s24, $0xb8;
	[tilespmem:$0xD100] =	vst v63  }
0x90: {  	v1 =	vld [tilespmem:s4+$0x40];
	_ =	sdelay $0x4  }
0x91: {  	[tilespmem:$0x2040] =	vst v1  }
0x92: {  	v1 =	vld [tilespmem:s4+$0x50];
	_ =	sdelay $0x4  }
0x93: {  	[tilespmem:$0x2050] =	vst v1  }
0x94: {  	v1 =	vld [tilespmem:s4+$0x60];
	_ =	sdelay $0x4  }
0x95: {  	[tilespmem:$0x2060] =	vst v1  }
0x96: {  	v1 =	vld [tilespmem:s4+$0x70];
	_ =	sdelay $0x1  }
0x97: {  	s6 =	simm.s32 $0x1;
	s3 =	sadd.s32 $0x1, s0;
	p2 =	seq.s32 s0, $0x9  }
0x98: {  	s6 =	simm.s32 @!p1 $0x0;
	s0 =	sshll.u32 @!p2 s3, $0xB  }
0x99: {  	s6 =	sshll.u32 s6, $0xB;
	s0 =	sadd.s32 @!p2 s16, s0  }
0x9a: {  	s7 =	sor.u32 $0x1070, s6;
	s5 =	sshll.u32 @!p2 s5, $0xB;
	s0 =	sshrl.u32 @!p2 s0, $0x3;
	[tilespmem:$0x2070] =	vst v1  }
0x9b: {  	[tilespmem:s28], [sflag:$0x2] =	stream.indirect.gather [spmem:s12], $0x20, s26, s24, $0xb8;
	[tilespmem:$0xD100] =	vst v63  }
0x9c: {  	s9 =	simm.s32 @!p2 $0x0;
	s5 =	sxor.u32 @!p2 $0x800, s5;
	s8 =	sadd.s32 @!p2 s17, s0  }
0x9d: {  	[tilespmem:s5], [sflag:$0x5] =	stream.linear.gather @!p2 [hbm4b:s8+s9], $0x800, $0x38;
	[tilespmem:$0xD100] =	vst v63  }
0x9e: {  	s0 =	sadd.s32 @!p2 s18, s0;
	v1 =	vmov s7;
	s5 =	sor.u32 @!p2 $0x1000, s5  }
0x9f: {  	[tilespmem:s5], [sflag:$0x5] =	stream.linear.gather @!p2 [hbm4b:s0+s9], $0x800, $0x38;
	[tilespmem:$0xD100] =	vst v63  }
0xa0: {  	_ =	swait.ge [sflag:s23], $0x800  }
0xa1: {  	[sflag:s23] =	ssyncset.done $0x0  }
0xa2: {  	s8 =	simm.s32 $0x0;
	[sflag:s23] =	ssyncadd.s32 $0xFFFFF800  }
0xa3: {  	v2 =	vld.idx.msk [tilespmem:v1+s8+$0xFFFFFF90 ss:$0x1], $0xffff;
	_ =	sdelay $0x4  }
0xa4: {  	[tilespmem:$0x2080] =	vst v2  }
0xa5: {  	v2 =	vld.idx.msk [tilespmem:v1+s8+$0xFFFFFFA0 ss:$0x1], $0xffff;
	_ =	sdelay $0x4  }
0xa6: {  	[tilespmem:$0x2090] =	vst v2  }
0xa7: {  	v2 =	vld.idx.msk [tilespmem:v1+s8+$0xFFFFFFB0 ss:$0x1], $0xffff;
	_ =	sdelay $0x4  }
0xa8: {  	[tilespmem:$0x20A0] =	vst v2  }
0xa9: {  	v2 =	vld.idx.msk [tilespmem:v1+s8+$0xFFFFFFC0 ss:$0x1], $0xffff;
	_ =	sdelay $0x4  }
0xaa: {  	[tilespmem:$0x20B0] =	vst v2  }
0xab: {  	[spmem:s14] =	stream.indirect.scatter.add.bf16 [tilespmem:s21], [sflag:$0x3], $0x20, s29, s24, $0xb8;
	[tilespmem:$0xD100] =	vst v63  }
0xac: {  	_ =	swait.ge [sflag:s30], $0x800  }
0xad: {  	[sflag:s30] =	ssyncset.done $0x0  }
0xae: {  	[sflag:s30] =	ssyncadd.s32 $0xFFFFF800  }
0xaf: {  	v2 =	vld.idx.msk [tilespmem:v1+s8+$0xFFFFFFD0 ss:$0x1], $0xffff;
	_ =	sdelay $0x4  }
0xb0: {  	[tilespmem:$0x20C0] =	vst v2  }
0xb1: {  	v2 =	vld.idx.msk [tilespmem:v1+s8+$0xFFFFFFE0 ss:$0x1], $0xffff;
	_ =	sdelay $0x4  }
0xb2: {  	[tilespmem:$0x20D0] =	vst v2  }
0xb3: {  	v2 =	vld.idx.msk [tilespmem:v1+s8+$0xFFFFFFF0 ss:$0x1], $0xffff;
	_ =	sdelay $0x4  }
0xb4: {  	[tilespmem:$0x20E0] =	vst v2  }
0xb5: {  	v3 =	vld.idx.msk [tilespmem:v1+s8+$0x0 ss:$0x1], $0xffff;
	_ =	sdelay $0x3  }
0xb6: {  	s9 =	sor.u32 $0x80, s6  }
0xb7: {  	v2 =	vmov s9;
	[tilespmem:$0x20F0] =	vst v3  }
0xb8: {  	[spmem:s14] =	stream.indirect.scatter.add.bf16 [tilespmem:s28], [sflag:$0x4], $0x20, s31, s24, $0xb8;
	[tilespmem:$0xD100] =	vst v63  }
0xb9: {  	_ =	swait.ge [sflag:s11], $0x800  }
0xba: {  	[sflag:s11] =	ssyncset.done $0x0  }
0xbb: {  	[sflag:s11] =	ssyncadd.s32 $0xFFFFF800  }
0xbc: {  	v3 =	vld.idx.msk [tilespmem:v2+s8+$0x0 ss:$0x1], $0xffff;
	_ =	sdelay $0x4  }
0xbd: {  	[tilespmem:$0x2000] =	vst v3  }
0xbe: {  	v3 =	vld.idx.msk [tilespmem:v2+s8+$0x10 ss:$0x1], $0xffff;
	_ =	sdelay $0x4  }
0xbf: {  	[tilespmem:$0x2010] =	vst v3  }
0xc0: {  	v3 =	vld.idx.msk [tilespmem:v2+s8+$0x20 ss:$0x1], $0xffff;
	_ =	sdelay $0x4  }
0xc1: {  	[tilespmem:$0x2020] =	vst v3  }
0xc2: {  	v3 =	vld.idx.msk [tilespmem:v2+s8+$0x30 ss:$0x1], $0xffff;
	_ =	sdelay $0x4  }
0xc3: {  	[tilespmem:$0x2030] =	vst v3  }
0xc4: {  	[tilespmem:s21], [sflag:$0x1] =	stream.indirect.gather [spmem:s12], $0x20, s25, s24, $0xb8;
	[tilespmem:$0xD100] =	vst v63  }
0xc5: {  	_ =	swait.ge [sflag:s2], $0x800  }
0xc6: {  	[sflag:s2] =	ssyncset.done $0x0  }
0xc7: {  	[sflag:s2] =	ssyncadd.s32 $0xFFFFF800  }
0xc8: {  	v3 =	vld.idx.msk [tilespmem:v2+s8+$0x40 ss:$0x1], $0xffff;
	_ =	sdelay $0x4  }
0xc9: {  	[tilespmem:$0x2040] =	vst v3  }
0xca: {  	v3 =	vld.idx.msk [tilespmem:v2+s8+$0x50 ss:$0x1], $0xffff;
	_ =	sdelay $0x4  }
0xcb: {  	[tilespmem:$0x2050] =	vst v3  }
0xcc: {  	v3 =	vld.idx.msk [tilespmem:v2+s8+$0x60 ss:$0x1], $0xffff;
	_ =	sdelay $0x4  }
0xcd: {  	[tilespmem:$0x2060] =	vst v3  }
0xce: {  	v3 =	vld.idx.msk [tilespmem:v2+s8+$0x70 ss:$0x1], $0xffff;
	_ =	sdelay $0x4  }
0xcf: {  	s5 =	simm.s32 $0x200;
	[tilespmem:$0x2070] =	vst v3  }
.LBB2_5:
0xd0: {  	[tilespmem:s28], [sflag:$0x2] =	stream.indirect.gather [spmem:s12], $0x20, s26, s24, $0xb8;
	[tilespmem:$0xD100] =	vst v63  }
0xd1: {  	s0 =	smov.u32 s5  }
0xd2: {  	p2 =	sne.s32 s5, $0x1C00;
	s5 =	sadd.s32 $0x200, s5;
	_ =	swait.ge [sflag:s23], $0x800  }
0xd3: {  	[sflag:s23] =	ssyncset.done $0x0  }
0xd4: {  	s0 =	sshra.s32 s0, $0x2;
	[sflag:s23] =	ssyncadd.s32 $0xFFFFF800  }
0xd5: {  	v3 =	vld.idx.msk [tilespmem:v1+s0+$0xFFFFFF90 ss:$0x1], $0xffff;
	_ =	sdelay $0x5  }
0xd6: {  	[tilespmem:$0x2080] =	vst v3  }
0xd7: {  	v3 =	vld.idx.msk [tilespmem:v1+s0+$0xFFFFFFA0 ss:$0x1], $0xffff;
	_ =	sdelay $0x5  }
0xd8: {  	[tilespmem:$0x2090] =	vst v3  }
0xd9: {  	v3 =	vld.idx.msk [tilespmem:v1+s0+$0xFFFFFFB0 ss:$0x1], $0xffff;
	_ =	sdelay $0x5  }
0xda: {  	[tilespmem:$0x20A0] =	vst v3  }
0xdb: {  	v3 =	vld.idx.msk [tilespmem:v1+s0+$0xFFFFFFC0 ss:$0x1], $0xffff;
	_ =	sdelay $0x5  }
0xdc: {  	[tilespmem:$0x20B0] =	vst v3  }
0xdd: {  	[spmem:s14] =	stream.indirect.scatter.add.bf16 [tilespmem:s21], [sflag:$0x3], $0x20, s29, s24, $0xb8;
	[tilespmem:$0xD100] =	vst v63  }
0xde: {  	_ =	swait.ge [sflag:s30], $0x800  }
0xdf: {  	[sflag:s30] =	ssyncset.done $0x0  }
0xe0: {  	[sflag:s30] =	ssyncadd.s32 $0xFFFFF800  }
0xe1: {  	v3 =	vld.idx.msk [tilespmem:v1+s0+$0xFFFFFFD0 ss:$0x1], $0xffff;
	_ =	sdelay $0x5  }
0xe2: {  	[tilespmem:$0x20C0] =	vst v3  }
0xe3: {  	v3 =	vld.idx.msk [tilespmem:v1+s0+$0xFFFFFFE0 ss:$0x1], $0xffff;
	_ =	sdelay $0x5  }
0xe4: {  	[tilespmem:$0x20D0] =	vst v3  }
0xe5: {  	v3 =	vld.idx.msk [tilespmem:v1+s0+$0xFFFFFFF0 ss:$0x1], $0xffff;
	_ =	sdelay $0x5  }
0xe6: {  	[tilespmem:$0x20E0] =	vst v3  }
0xe7: {  	v3 =	vld.idx.msk [tilespmem:v1+s0+$0x0 ss:$0x1], $0xffff;
	_ =	sdelay $0x5  }
0xe8: {  	[tilespmem:$0x20F0] =	vst v3  }
0xe9: {  	[spmem:s14] =	stream.indirect.scatter.add.bf16 [tilespmem:s28], [sflag:$0x4], $0x20, s31, s24, $0xb8;
	[tilespmem:$0xD100] =	vst v63  }
0xea: {  	_ =	swait.ge [sflag:s11], $0x800  }
0xeb: {  	[sflag:s11] =	ssyncset.done $0x0  }
0xec: {  	[sflag:s11] =	ssyncadd.s32 $0xFFFFF800  }
0xed: {  	v3 =	vld.idx.msk [tilespmem:v2+s0+$0x0 ss:$0x1], $0xffff;
	_ =	sdelay $0x5  }
0xee: {  	[tilespmem:$0x2000] =	vst v3  }
0xef: {  	v3 =	vld.idx.msk [tilespmem:v2+s0+$0x10 ss:$0x1], $0xffff;
	_ =	sdelay $0x5  }
0xf0: {  	[tilespmem:$0x2010] =	vst v3  }
0xf1: {  	v3 =	vld.idx.msk [tilespmem:v2+s0+$0x20 ss:$0x1], $0xffff;
	_ =	sdelay $0x5  }
0xf2: {  	[tilespmem:$0x2020] =	vst v3  }
0xf3: {  	v3 =	vld.idx.msk [tilespmem:v2+s0+$0x30 ss:$0x1], $0xffff;
	_ =	sdelay $0x5  }
0xf4: {  	[tilespmem:$0x2030] =	vst v3  }
0xf5: {  	[tilespmem:s21], [sflag:$0x1] =	stream.indirect.gather [spmem:s12], $0x20, s25, s24, $0xb8;
	[tilespmem:$0xD100] =	vst v63  }
0xf6: {  	_ =	swait.ge [sflag:s2], $0x800  }
0xf7: {  	[sflag:s2] =	ssyncset.done $0x0  }
0xf8: {  	[sflag:s2] =	ssyncadd.s32 $0xFFFFF800  }
0xf9: {  	v3 =	vld.idx.msk [tilespmem:v2+s0+$0x40 ss:$0x1], $0xffff;
	_ =	sdelay $0x5  }
0xfa: {  	[tilespmem:$0x2040] =	vst v3  }
0xfb: {  	v3 =	vld.idx.msk [tilespmem:v2+s0+$0x50 ss:$0x1], $0xffff;
	_ =	sdelay $0x5  }
0xfc: {  	[tilespmem:$0x2050] =	vst v3  }
0xfd: {  	v3 =	vld.idx.msk [tilespmem:v2+s0+$0x60 ss:$0x1], $0xffff;
	_ =	sdelay $0x5  }
0xfe: {  	[tilespmem:$0x2060] =	vst v3  }
0xff: {  	v3 =	vld.idx.msk [tilespmem:v2+s0+$0x70 ss:$0x1], $0xffff;
	_ =	sdelay $0x1  }
.Ltmp1:
0x100: {  	(pc) =	sbr.rel @p2 .LBB2_5-.Ltmp1, $2  }
0x101: {  	_ =	sdelay $0x2  }
0x102: {  	[tilespmem:$0x2070] =	vst v3  }
0x103: {  	[tilespmem:s28], [sflag:$0x2] =	stream.indirect.gather [spmem:s12], $0x20, s26, s24, $0xb8;
	[tilespmem:$0xD100] =	vst v63  }
0x104: {  	_ =	swait.ge [sflag:s23], $0x800  }
0x105: {  	[sflag:s23] =	ssyncset.done $0x0  }
0x106: {  	[sflag:s23] =	ssyncadd.s32 $0xFFFFF800  }
0x107: {  	v1 =	vld [tilespmem:s4+$0x1780];
	_ =	sdelay $0x4  }
0x108: {  	[tilespmem:$0x2080] =	vst v1  }
0x109: {  	v1 =	vld [tilespmem:s4+$0x1790];
	_ =	sdelay $0x4  }
0x10a: {  	[tilespmem:$0x2090] =	vst v1  }
0x10b: {  	v1 =	vld [tilespmem:s4+$0x17A0];
	_ =	sdelay $0x4  }
0x10c: {  	[tilespmem:$0x20A0] =	vst v1  }
0x10d: {  	v1 =	vld [tilespmem:s4+$0x17B0];
	_ =	sdelay $0x4  }
0x10e: {  	[tilespmem:$0x20B0] =	vst v1  }
0x10f: {  	[spmem:s14] =	stream.indirect.scatter.add.bf16 [tilespmem:s21], [sflag:$0x3], $0x20, s29, s24, $0xb8;
	[tilespmem:$0xD100] =	vst v63  }
0x110: {  	_ =	swait.ge [sflag:s30], $0x800  }
0x111: {  	[sflag:s30] =	ssyncset.done $0x0  }
0x112: {  	[sflag:s30] =	ssyncadd.s32 $0xFFFFF800  }
0x113: {  	v1 =	vld [tilespmem:s4+$0x17C0];
	_ =	sdelay $0x4  }
0x114: {  	[tilespmem:$0x20C0] =	vst v1  }
0x115: {  	v1 =	vld [tilespmem:s4+$0x17D0];
	_ =	sdelay $0x4  }
0x116: {  	[tilespmem:$0x20D0] =	vst v1  }
0x117: {  	v1 =	vld [tilespmem:s4+$0x17E0];
	_ =	sdelay $0x4  }
0x118: {  	[tilespmem:$0x20E0] =	vst v1  }
0x119: {  	v1 =	vld [tilespmem:s4+$0x17F0];
	_ =	sdelay $0x4  }
0x11a: {  	[tilespmem:$0x20F0] =	vst v1  }
0x11b: {  	[spmem:s14] =	stream.indirect.scatter.add.bf16 [tilespmem:s28], [sflag:$0x4], $0x20, s31, s24, $0xb8;
	[tilespmem:$0xD100] =	vst v63  }
0x11c: {  	p2 =	sne.s32 s3, $0xA;
	_ =	swait.ge [sflag:s11], $0x800  }
.Ltmp2:
0x11d: {  	[sflag:s11] =	ssyncset.done $0x0;
	(pc) =	sbr.rel @p2 .LBB2_4-.Ltmp2, $4  }
0x11e: {  	[sflag:s11] =	ssyncadd.s32 $0xFFFFF800  }
0x11f: {  	_ =	swait.ge [sflag:s2], $0x800  }
0x120: {  	[sflag:s2] =	ssyncset.done $0x0  }
0x121: {  	p1 =	por !p1, !p1;
	[sflag:s2] =	ssyncadd.s32 $0xFFFFF800  }
0x122: {  	s3 =	stileid.u32;
	[bflag:$0x0] =	sbarrier.arrive $0xFFFF  }
0x123: {  	s0 =	sshll.u32 s3, $0x6;
	s4 =	rddreg [dreg:$0x6]  }
0x124: {  	s5 =	rddreg [dreg:$0x16];
	s0 =	sor.u32 $0x1C06, s0  }
0x125: {  	[hbm:s4], [sflag:s0] =	dma.local [spmem:s5], $0x100  }
0x126: {  	_ =	swait.ge [sflag:s22], $0x100  }
0x127: {  	[sflag:s22] =	ssyncset.done $0x0;
	s8 =	rddreg [dreg:$0x7]  }
0x128: {  	s9 =	rddreg [dreg:$0x17];
	[sflag:s22] =	ssyncadd.s32 $0xFFFFFF00  }
0x129: {  	[hbm:s8], [sflag:s0] =	dma.local [spmem:s9], $0x100  }
0x12a: {  	_ =	swait.ge [sflag:s22], $0x100  }
0x12b: {  	[sflag:s22] =	ssyncset.done $0x0;
	s6 =	rddreg [dreg:$0x8]  }
0x12c: {  	s7 =	rddreg [dreg:$0x18];
	[sflag:s22] =	ssyncadd.s32 $0xFFFFFF00  }
0x12d: {  	[hbm:s6], [sflag:s0] =	dma.local [spmem:s7], $0x100  }
0x12e: {  	_ =	swait.ge [sflag:s22], $0x100  }
0x12f: {  	[sflag:s22] =	ssyncset.done $0x0;
	s8 =	rddreg [dreg:$0x9]  }
0x130: {  	s9 =	rddreg [dreg:$0x19];
	[sflag:s22] =	ssyncadd.s32 $0xFFFFFF00  }
0x131: {  	[hbm:s8], [sflag:s0] =	dma.local [spmem:s9], $0x100  }
0x132: {  	_ =	swait.ge [sflag:s22], $0x100  }
0x133: {  	[sflag:s22] =	ssyncset.done $0x0;
	s6 =	rddreg [dreg:$0xa]  }
0x134: {  	s7 =	rddreg [dreg:$0x1a];
	[sflag:s22] =	ssyncadd.s32 $0xFFFFFF00  }
0x135: {  	[hbm:s6], [sflag:s0] =	dma.local [spmem:s7], $0x100  }
0x136: {  	_ =	swait.ge [sflag:s22], $0x100  }
0x137: {  	[sflag:s22] =	ssyncset.done $0x0;
	s8 =	rddreg [dreg:$0xb]  }
0x138: {  	s9 =	rddreg [dreg:$0x1b];
	[sflag:s22] =	ssyncadd.s32 $0xFFFFFF00  }
0x139: {  	[hbm:s8], [sflag:s0] =	dma.local [spmem:s9], $0x100  }
0x13a: {  	_ =	swait.ge [sflag:s22], $0x100  }
0x13b: {  	[sflag:s22] =	ssyncset.done $0x0;
	s6 =	rddreg [dreg:$0xc]  }
0x13c: {  	s7 =	rddreg [dreg:$0x1c];
	[sflag:s22] =	ssyncadd.s32 $0xFFFFFF00  }
0x13d: {  	[hbm:s6], [sflag:s0] =	dma.local [spmem:s7], $0x100  }
0x13e: {  	_ =	swait.ge [sflag:s22], $0x100  }
0x13f: {  	[sflag:s22] =	ssyncset.done $0x0;
	s8 =	rddreg [dreg:$0xd]  }
0x140: {  	s9 =	rddreg [dreg:$0x1d];
	[sflag:s22] =	ssyncadd.s32 $0xFFFFFF00  }
0x141: {  	[hbm:s8], [sflag:s0] =	dma.local [spmem:s9], $0x100  }
0x142: {  	_ =	swait.ge [sflag:s22], $0x100  }
0x143: {  	[sflag:s22] =	ssyncset.done $0x0;
	s5 =	rddreg [dreg:$0xe]  }
0x144: {  	s6 =	rddreg [dreg:$0x1e];
	[sflag:s22] =	ssyncadd.s32 $0xFFFFFF00  }
0x145: {  	[hbm:s5], [sflag:s0] =	dma.local [spmem:s6], $0x100  }
0x146: {  	_ =	swait.ge [sflag:s22], $0x100  }
0x147: {  	[sflag:s22] =	ssyncset.done $0x0;
	s7 =	rddreg [dreg:$0xf]  }
0x148: {  	s8 =	rddreg [dreg:$0x1f];
	[sflag:s22] =	ssyncadd.s32 $0xFFFFFF00  }
0x149: {  	[hbm:s7], [sflag:s0] =	dma.local [spmem:s8], $0x100  }
0x14a: {  	_ =	swait.ge [sflag:s22], $0x100  }
0x14b: {  	s1 =	sadd.s32 $0x1, s1;
	s9 =	rddreg [dreg:$0x13]  }
0x14c: {  	p1 =	sne.s32 s1, s9  }
.Ltmp3:
0x14d: {  	_ = 	snop;
	(pc) =	sbr.rel @p1 .LBB2_1-.Ltmp3, $3  }
0x14e: {  	_ =	sdelay $0x1  }
0x14f: {  	[sflag:s22] =	ssyncset.done $0x0  }
0x150: {  	[sflag:s22] =	ssyncadd.s32 $0xFFFFFF00  }
0x151: {  	_ =	sfence.sel $0x180000  }
0x152: {  	[bflag:$0x0] =	sbarrier.arrive $0xFFFF  }
0x153: {  	_ =	strace $0x9000004A  }
0x154: {  	[bflag:$0x2] =	sbarrier.arrive $0xFFFF  }
0x155: {  	p0 =	sne.s32 s3, $0x0;
	s0 =	rddreg [dreg:$0x4]  }
0x156: {  	s0 =	sadd.s32 @!p0 $0x100000, s0  }
0x157: {  	[sflag:s0] =	ssyncadd.tile.s32 @!p0 $0x1;
	_ =	shalt  }
.Lfunc_end2:
_tile_overlayer_lowered:
.L_overlay_start_2:
0x158: {  	(tag) =	ssettag $0x2  }
0x159: {  	s0 =	rddreg [dreg:$0x0];
	s2 =	stileid.u32  }
0x15a: {  	s1 =	rddreg [dreg:$0x1];
	p0 =	sne.s32 s2, $0x0  }
0x15b: {  	s3 =	rddreg [dreg:$0x2];
	[bflag:$0x3] =	sbarrier.arrive $0xFFFF;
	s2 =	simm.s32 @!p0 $0x1C06  }
0x15c: {  	[timem:s3], [sflag:s2] =	dma.local @!p0 [hbm:s0], s1  }
0x15d: {  	s0 =	simm.s32 @!p0 $0x6  }
0x15e: {  	_ =	swait.ge @!p0 [sflag:s0], s1  }
0x15f: {  	s1 =	ssub.s32 @!p0 $0x0, s1;
	[sflag:s0] =	ssyncset.done @!p0 $0x0  }
0x160: {  	[sflag:s0] =	ssyncadd.s32 @!p0 s1  }
0x161: {  	[bflag:$0x3] =	sbarrier.arrive $0xFFFF  }
0x162: {  	_ =	shalt  }

</sc_bundles>
